<compile_context>
chip_gen: v7x
topology: tpu7x:2x2x1
jax: 0.10.2.dev20260603
libtpu: 0.0.44.dev20260713+nightly
codegen_flags: <defaults>
</compile_context>

<pallas_src>
import jax
import jax.numpy as jnp
from jax import lax
from jax.experimental import pallas as pl
from jax.experimental.pallas import tpu as pltpu
from jax.experimental.pallas import tpu_sc as plsc

VOCAB = 1000000
D_MODEL = 128
BATCH = 4
SEQ_LEN = 8192

NC = 2
NS = 16
NW = NC * NS

S_PER_W = SEQ_LEN // NW
CH = 128
HALVES = S_PER_W // CH
NCH = BATCH * HALVES
NBUF = 4


def _body(idx_hbm, tok_hbm, pos_hbm, out_hbm,
          i0, i1, i2, i3, i4, i5, i6, i7, pos_sh, acc_v,
          sem_i, sem_p, sem_c, sem_g, sem_o):
    idx_bufs = [i0, i1, i2, i3, i4, i5, i6, i7]
    wid = lax.axis_index("s") * NC + lax.axis_index("c")
    sid = lax.axis_index("s")
    s0 = wid * S_PER_W

    def bh(t):
        return t // HALVES, (t % HALVES) * CH

    my_pos = pos_sh.at[pl.ds(sid * S_PER_W, S_PER_W)]
    pltpu.async_copy(pos_hbm.at[pl.ds(s0, S_PER_W)], my_pos, sem_p)
    for t in range(NCH):
        b, h = bh(t)
        pltpu.async_copy(idx_hbm.at[b, pl.ds(s0 + h, CH)], idx_bufs[t], sem_i)
    def spos(t):
        return pos_sh.at[pl.ds(sid * S_PER_W + bh(t)[1], CH)]

    def oslice(t):
        b, h = bh(t)
        return out_hbm.at[b, pl.ds(s0 + h, CH)]

    def issue_posc(t):
        pltpu.async_copy(spos(t), acc_v.at[t % NBUF], sem_c.at[t % NBUF])

    def wait_posc(t):
        pltpu.make_async_copy(spos(t), acc_v.at[t % NBUF],
                              sem_c.at[t % NBUF]).wait()

    def issue_gather(t):
        pltpu.async_copy(tok_hbm.at[idx_bufs[t]], acc_v.at[t % NBUF],
                         sem_g.at[t % NBUF], add=True)

    def wait_gather(t):
        pltpu.make_async_copy(tok_hbm.at[idx_bufs[t]], acc_v.at[t % NBUF],
                              sem_g.at[t % NBUF]).wait()

    def issue_out(t):
        pltpu.async_copy(acc_v.at[t % NBUF], oslice(t), sem_o.at[t % NBUF])

    def wait_out(t):
        pltpu.make_async_copy(acc_v.at[t % NBUF], oslice(t),
                              sem_o.at[t % NBUF]).wait()

    pltpu.make_async_copy(pos_hbm.at[pl.ds(s0, S_PER_W)], my_pos, sem_p).wait()
    for t in range(NBUF):
        issue_posc(t)
    for t in range(NCH):
        b, h = bh(t)
        pltpu.make_async_copy(idx_hbm.at[b, pl.ds(s0 + h, CH)],
                              idx_bufs[t], sem_i).wait()
    for t in range(NCH):
        wait_posc(t)
        issue_gather(t)
        if t >= 1:
            wait_gather(t - 1)
            issue_out(t - 1)
        nxt = t + 1
        if NBUF <= nxt < NCH:
            wait_out(nxt - NBUF)
            issue_posc(nxt)
    wait_gather(NCH - 1)
    issue_out(NCH - 1)
    for t in range(NCH - NBUF, NCH):
        wait_out(t)


@jax.jit
def _embed(x, token_table, pos_table):
    mesh = plsc.VectorSubcoreMesh(core_axis_name="c", subcore_axis_name="s")
    k = pl.kernel(
        _body,
        out_type=jax.ShapeDtypeStruct((BATCH, SEQ_LEN, D_MODEL), jnp.float32),
        mesh=mesh,
        scratch_types=(
            [pltpu.VMEM((CH,), jnp.int32) for _ in range(NCH)]
            + [
                pltpu.VMEM_SHARED((NS * S_PER_W, D_MODEL), jnp.float32),
                pltpu.VMEM((NBUF, CH, D_MODEL), jnp.float32),
                pltpu.SemaphoreType.DMA,
                pltpu.SemaphoreType.DMA,
                pltpu.SemaphoreType.DMA((NBUF,)),
                pltpu.SemaphoreType.DMA((NBUF,)),
                pltpu.SemaphoreType.DMA((NBUF,)),
            ]
        ),
    )
    return k(x, token_table, pos_table)


def kernel(x, token_table, pos_table):
    return _embed(x.astype(jnp.int32), token_table, pos_table)

# --- scband reference (transcript-rebuilt; emitter-appended) ---
"""Pipeline reference for scband-trasnformer-embedding-26792005992842 (READ-ONLY COPY).

The authoritative reference and input builder live on the scoring server;
editing this copy changes nothing except your own understanding.
"""

import jax, jax.numpy as jnp
import numpy as np

VOCAB = 1000000
D_MODEL = 128
BATCH = 4
SEQ_LEN = 8192


def setup_inputs(seed: int = 0) -> dict:
    key = jax.random.key(seed)
    k_idx, k_tok, k_pos = jax.random.split(key, 3)
    x = jax.random.randint(k_idx, (BATCH, SEQ_LEN), 0, VOCAB, dtype=jnp.int64 if jax.config.jax_enable_x64 else jnp.int32)
    token_table = jax.random.normal(k_tok, (VOCAB, D_MODEL), dtype=jnp.float32) * 0.02
    pos_table = jax.random.normal(k_pos, (SEQ_LEN, D_MODEL), dtype=jnp.float32) * 0.02
    return {"x": x, "token_table": token_table, "pos_table": pos_table}


def reference(x, token_table, pos_table):
    # nn.Sequential(token_embed, pos_embed):
    # 1) token embedding lookup (gather)
    tok = jnp.take(token_table, x, axis=0)            # [B, S, D]
    # 2) learned positional embedding added to token embeddings
    seq_len = tok.shape[1]
    out = tok + pos_table[None, :seq_len, :]          # [B, S, D]
    return out

if __name__ == "__main__":
    import jax
    _d = setup_inputs()
    print(jax.jit(kernel)(*tuple(_d.values())))

</pallas_src>

<mosaic_0001>
#map = affine_map<(d0, d1) -> (0, 0)>
#map1 = affine_map<(d0, d1) -> (0, 0, 0)>
module attributes {stable_mosaic.version = 14 : i64} {
  func.func @_body(%arg0: i32, %arg1: i32, %arg2: memref<4x8192xi32, #tpu.memory_space<hbm>>, %arg3: memref<1000000x128xf32, #tpu.memory_space<hbm>>, %arg4: memref<8192x128xf32, #tpu.memory_space<hbm>>, %arg5: memref<4x8192x128xf32, #tpu.memory_space<hbm>>, %arg6: memref<128xi32, #tpu.memory_space<vmem>>, %arg7: memref<128xi32, #tpu.memory_space<vmem>>, %arg8: memref<128xi32, #tpu.memory_space<vmem>>, %arg9: memref<128xi32, #tpu.memory_space<vmem>>, %arg10: memref<128xi32, #tpu.memory_space<vmem>>, %arg11: memref<128xi32, #tpu.memory_space<vmem>>, %arg12: memref<128xi32, #tpu.memory_space<vmem>>, %arg13: memref<128xi32, #tpu.memory_space<vmem>>, %arg14: memref<4096x128xf32, #tpu.memory_space<vmem_shared>>, %arg15: memref<4x128x128xf32, #tpu.memory_space<vmem>>, %arg16: memref<!tpu.dma_semaphore, #tpu.memory_space<semaphore_mem>>, %arg17: memref<!tpu.dma_semaphore, #tpu.memory_space<semaphore_mem>>, %arg18: memref<4x!tpu.dma_semaphore, #tpu.memory_space<semaphore_mem>>, %arg19: memref<4x!tpu.dma_semaphore, #tpu.memory_space<semaphore_mem>>, %arg20: memref<4x!tpu.dma_semaphore, #tpu.memory_space<semaphore_mem>>) attributes {dimension_semantics = [#tpu.dimension_semantics<core_parallel>, #tpu.dimension_semantics<subcore_parallel>], iteration_bounds = array<i64: 2, 16>, scalar_prefetch = 0 : i64, scratch_operands = 15 : i64, tpu.core_type = #tpu.core_type<sc_vector_subcore>, window_params = [{transform_indices = #map}, {transform_indices = #map}, {transform_indices = #map}, {transform_indices = #map1}]} {
    %mul3A = arith.constant 2 : i32
    %mul3A_0 = arith.muli %arg1, %mul3A : i32
    %add3A = arith.addi %mul3A_0, %arg0 : i32
    %mul3A_1 = arith.constant 256 : i32
    %mul3A_2 = arith.muli %add3A, %mul3A_1 : i32
    %mul3A_3 = arith.constant 256 : i32
    %mul3A_4 = arith.muli %arg1, %mul3A_3 : i32
    %dma_start3A = arith.constant 0 : i32
    %dma_start3A_5 = tpu.memref_slice %arg14[%mul3A_4, %dma_start3A] : memref<4096x128xf32, #tpu.memory_space<vmem_shared>> -> memref<256x128xf32, #tpu.memory_space<vmem_shared>>
    %dma_start3A_6 = arith.constant 0 : i32
    %dma_start3A_7 = tpu.memref_slice %arg4[%mul3A_2, %dma_start3A_6] : memref<8192x128xf32, #tpu.memory_space<hbm>> -> memref<256x128xf32, #tpu.memory_space<hbm>>
    tpu.enqueue_dma source(%dma_start3A_7 : memref<256x128xf32, #tpu.memory_space<hbm>>) target(%dma_start3A_5 : memref<256x128xf32, #tpu.memory_space<vmem_shared>>) target_semaphore(%arg17 : memref<!tpu.dma_semaphore, #tpu.memory_space<semaphore_mem>>)
    %add3A_8 = arith.constant 0 : i32
    %add3A_9 = arith.addi %mul3A_2, %add3A_8 : i32
    %dma_start3A_10 = arith.constant 0 : i32
    %dma_start3A_11 = tpu.memref_slice %arg2[%dma_start3A_10, %add3A_9] : memref<4x8192xi32, #tpu.memory_space<hbm>> -> memref<1x128xi32, #tpu.memory_space<hbm>>
    %dma_start3A_12 = tpu.memref_squeeze %dma_start3A_11 : memref<1x128xi32, #tpu.memory_space<hbm>> -> memref<128xi32, #tpu.memory_space<hbm>>
    %dma_start3A_13 = tpu.memref_slice %arg2[%dma_start3A_10, %add3A_9] : memref<4x8192xi32, #tpu.memory_space<hbm>> -> memref<1x128xi32, #tpu.memory_space<hbm>>
    %dma_start3A_14 = tpu.memref_squeeze %dma_start3A_13 : memref<1x128xi32, #tpu.memory_space<hbm>> -> memref<128xi32, #tpu.memory_space<hbm>>
    tpu.enqueue_dma source(%dma_start3A_14 : memref<128xi32, #tpu.memory_space<hbm>>) target(%arg6 : memref<128xi32, #tpu.memory_space<vmem>>) target_semaphore(%arg16 : memref<!tpu.dma_semaphore, #tpu.memory_space<semaphore_mem>>)
    %add3A_15 = arith.constant 128 : i32
    %add3A_16 = arith.addi %mul3A_2, %add3A_15 : i32
    %dma_start3A_17 = arith.constant 0 : i32
    %dma_start3A_18 = tpu.memref_slice %arg2[%dma_start3A_17, %add3A_16] : memref<4x8192xi32, #tpu.memory_space<hbm>> -> memref<1x128xi32, #tpu.memory_space<hbm>>
    %dma_start3A_19 = tpu.memref_squeeze %dma_start3A_18 : memref<1x128xi32, #tpu.memory_space<hbm>> -> memref<128xi32, #tpu.memory_space<hbm>>
    %dma_start3A_20 = tpu.memref_slice %arg2[%dma_start3A_17, %add3A_16] : memref<4x8192xi32, #tpu.memory_space<hbm>> -> memref<1x128xi32, #tpu.memory_space<hbm>>
    %dma_start3A_21 = tpu.memref_squeeze %dma_start3A_20 : memref<1x128xi32, #tpu.memory_space<hbm>> -> memref<128xi32, #tpu.memory_space<hbm>>
    tpu.enqueue_dma source(%dma_start3A_21 : memref<128xi32, #tpu.memory_space<hbm>>) target(%arg7 : memref<128xi32, #tpu.memory_space<vmem>>) target_semaphore(%arg16 : memref<!tpu.dma_semaphore, #tpu.memory_space<semaphore_mem>>)
    %add3A_22 = arith.constant 0 : i32
    %add3A_23 = arith.addi %mul3A_2, %add3A_22 : i32
    %dma_start3A_24 = arith.constant 1 : i32
    %dma_start3A_25 = tpu.memref_slice %arg2[%dma_start3A_24, %add3A_23] : memref<4x8192xi32, #tpu.memory_space<hbm>> -> memref<1x128xi32, #tpu.memory_space<hbm>>
    %dma_start3A_26 = tpu.memref_squeeze %dma_start3A_25 : memref<1x128xi32, #tpu.memory_space<hbm>> -> memref<128xi32, #tpu.memory_space<hbm>>
    %dma_start3A_27 = tpu.memref_slice %arg2[%dma_start3A_24, %add3A_23] : memref<4x8192xi32, #tpu.memory_space<hbm>> -> memref<1x128xi32, #tpu.memory_space<hbm>>
    %dma_start3A_28 = tpu.memref_squeeze %dma_start3A_27 : memref<1x128xi32, #tpu.memory_space<hbm>> -> memref<128xi32, #tpu.memory_space<hbm>>
    tpu.enqueue_dma source(%dma_start3A_28 : memref<128xi32, #tpu.memory_space<hbm>>) target(%arg8 : memref<128xi32, #tpu.memory_space<vmem>>) target_semaphore(%arg16 : memref<!tpu.dma_semaphore, #tpu.memory_space<semaphore_mem>>)
    %add3A_29 = arith.constant 128 : i32
    %add3A_30 = arith.addi %mul3A_2, %add3A_29 : i32
    %dma_start3A_31 = arith.constant 1 : i32
    %dma_start3A_32 = tpu.memref_slice %arg2[%dma_start3A_31, %add3A_30] : memref<4x8192xi32, #tpu.memory_space<hbm>> -> memref<1x128xi32, #tpu.memory_space<hbm>>
    %dma_start3A_33 = tpu.memref_squeeze %dma_start3A_32 : memref<1x128xi32, #tpu.memory_space<hbm>> -> memref<128xi32, #tpu.memory_space<hbm>>
    %dma_start3A_34 = tpu.memref_slice %arg2[%dma_start3A_31, %add3A_30] : memref<4x8192xi32, #tpu.memory_space<hbm>> -> memref<1x128xi32, #tpu.memory_space<hbm>>
    %dma_start3A_35 = tpu.memref_squeeze %dma_start3A_34 : memref<1x128xi32, #tpu.memory_space<hbm>> -> memref<128xi32, #tpu.memory_space<hbm>>
    tpu.enqueue_dma source(%dma_start3A_35 : memref<128xi32, #tpu.memory_space<hbm>>) target(%arg9 : memref<128xi32, #tpu.memory_space<vmem>>) target_semaphore(%arg16 : memref<!tpu.dma_semaphore, #tpu.memory_space<semaphore_mem>>)
    %add3A_36 = arith.constant 0 : i32
    %add3A_37 = arith.addi %mul3A_2, %add3A_36 : i32
    %dma_start3A_38 = arith.constant 2 : i32
    %dma_start3A_39 = tpu.memref_slice %arg2[%dma_start3A_38, %add3A_37] : memref<4x8192xi32, #tpu.memory_space<hbm>> -> memref<1x128xi32, #tpu.memory_space<hbm>>
    %dma_start3A_40 = tpu.memref_squeeze %dma_start3A_39 : memref<1x128xi32, #tpu.memory_space<hbm>> -> memref<128xi32, #tpu.memory_space<hbm>>
    %dma_start3A_41 = tpu.memref_slice %arg2[%dma_start3A_38, %add3A_37] : memref<4x8192xi32, #tpu.memory_space<hbm>> -> memref<1x128xi32, #tpu.memory_space<hbm>>
    %dma_start3A_42 = tpu.memref_squeeze %dma_start3A_41 : memref<1x128xi32, #tpu.memory_space<hbm>> -> memref<128xi32, #tpu.memory_space<hbm>>
    tpu.enqueue_dma source(%dma_start3A_42 : memref<128xi32, #tpu.memory_space<hbm>>) target(%arg10 : memref<128xi32, #tpu.memory_space<vmem>>) target_semaphore(%arg16 : memref<!tpu.dma_semaphore, #tpu.memory_space<semaphore_mem>>)
    %add3A_43 = arith.constant 128 : i32
    %add3A_44 = arith.addi %mul3A_2, %add3A_43 : i32
    %dma_start3A_45 = arith.constant 2 : i32
    %dma_start3A_46 = tpu.memref_slice %arg2[%dma_start3A_45, %add3A_44] : memref<4x8192xi32, #tpu.memory_space<hbm>> -> memref<1x128xi32, #tpu.memory_space<hbm>>
    %dma_start3A_47 = tpu.memref_squeeze %dma_start3A_46 : memref<1x128xi32, #tpu.memory_space<hbm>> -> memref<128xi32, #tpu.memory_space<hbm>>
    %dma_start3A_48 = tpu.memref_slice %arg2[%dma_start3A_45, %add3A_44] : memref<4x8192xi32, #tpu.memory_space<hbm>> -> memref<1x128xi32, #tpu.memory_space<hbm>>
    %dma_start3A_49 = tpu.memref_squeeze %dma_start3A_48 : memref<1x128xi32, #tpu.memory_space<hbm>> -> memref<128xi32, #tpu.memory_space<hbm>>
    tpu.enqueue_dma source(%dma_start3A_49 : memref<128xi32, #tpu.memory_space<hbm>>) target(%arg11 : memref<128xi32, #tpu.memory_space<vmem>>) target_semaphore(%arg16 : memref<!tpu.dma_semaphore, #tpu.memory_space<semaphore_mem>>)
    %add3A_50 = arith.constant 0 : i32
    %add3A_51 = arith.addi %mul3A_2, %add3A_50 : i32
    %dma_start3A_52 = arith.constant 3 : i32
    %dma_start3A_53 = tpu.memref_slice %arg2[%dma_start3A_52, %add3A_51] : memref<4x8192xi32, #tpu.memory_space<hbm>> -> memref<1x128xi32, #tpu.memory_space<hbm>>
    %dma_start3A_54 = tpu.memref_squeeze %dma_start3A_53 : memref<1x128xi32, #tpu.memory_space<hbm>> -> memref<128xi32, #tpu.memory_space<hbm>>
    %dma_start3A_55 = tpu.memref_slice %arg2[%dma_start3A_52, %add3A_51] : memref<4x8192xi32, #tpu.memory_space<hbm>> -> memref<1x128xi32, #tpu.memory_space<hbm>>
    %dma_start3A_56 = tpu.memref_squeeze %dma_start3A_55 : memref<1x128xi32, #tpu.memory_space<hbm>> -> memref<128xi32, #tpu.memory_space<hbm>>
    tpu.enqueue_dma source(%dma_start3A_56 : memref<128xi32, #tpu.memory_space<hbm>>) target(%arg12 : memref<128xi32, #tpu.memory_space<vmem>>) target_semaphore(%arg16 : memref<!tpu.dma_semaphore, #tpu.memory_space<semaphore_mem>>)
    %add3A_57 = arith.constant 128 : i32
    %add3A_58 = arith.addi %mul3A_2, %add3A_57 : i32
    %dma_start3A_59 = arith.constant 3 : i32
    %dma_start3A_60 = tpu.memref_slice %arg2[%dma_start3A_59, %add3A_58] : memref<4x8192xi32, #tpu.memory_space<hbm>> -> memref<1x128xi32, #tpu.memory_space<hbm>>
    %dma_start3A_61 = tpu.memref_squeeze %dma_start3A_60 : memref<1x128xi32, #tpu.memory_space<hbm>> -> memref<128xi32, #tpu.memory_space<hbm>>
    %dma_start3A_62 = tpu.memref_slice %arg2[%dma_start3A_59, %add3A_58] : memref<4x8192xi32, #tpu.memory_space<hbm>> -> memref<1x128xi32, #tpu.memory_space<hbm>>
    %dma_start3A_63 = tpu.memref_squeeze %dma_start3A_62 : memref<1x128xi32, #tpu.memory_space<hbm>> -> memref<128xi32, #tpu.memory_space<hbm>>
    tpu.enqueue_dma source(%dma_start3A_63 : memref<128xi32, #tpu.memory_space<hbm>>) target(%arg13 : memref<128xi32, #tpu.memory_space<vmem>>) target_semaphore(%arg16 : memref<!tpu.dma_semaphore, #tpu.memory_space<semaphore_mem>>)
    %dma_wait3A = arith.constant 0 : i32
    %dma_wait3A_64 = tpu.memref_slice %arg14[%mul3A_4, %dma_wait3A] : memref<4096x128xf32, #tpu.memory_space<vmem_shared>> -> memref<256x128xf32, #tpu.memory_space<vmem_shared>>
    %dma_wait3A_65 = arith.constant 0 : i32
    %dma_wait3A_66 = tpu.memref_slice %arg4[%mul3A_2, %dma_wait3A_65] : memref<8192x128xf32, #tpu.memory_space<hbm>> -> memref<256x128xf32, #tpu.memory_space<hbm>>
    tpu.wait_dma2 semaphore(%arg17 : memref<!tpu.dma_semaphore, #tpu.memory_space<semaphore_mem>>) src(%dma_wait3A_66 : memref<256x128xf32, #tpu.memory_space<hbm>>) dst(%dma_wait3A_64 : memref<256x128xf32, #tpu.memory_space<vmem_shared>>)
    %mul3A_67 = arith.constant 256 : i32
    %mul3A_68 = arith.muli %arg1, %mul3A_67 : i32
    %add3A_69 = arith.constant 0 : i32
    %add3A_70 = arith.addi %mul3A_68, %add3A_69 : i32
    %dma_start3A_71 = arith.constant 0 : i32
    %dma_start3A_72 = arith.constant 0 : i32
    %dma_start3A_73 = arith.constant 0 : i32
    %dma_start3A_74 = arith.constant 0 : i32
    %dma_start3A_75 = tpu.memref_slice %arg15[%dma_start3A_71, %dma_start3A_73, %dma_start3A_74] : memref<4x128x128xf32, #tpu.memory_space<vmem>> -> memref<1x128x128xf32, #tpu.memory_space<vmem>>
    %dma_start3A_76 = tpu.memref_squeeze %dma_start3A_75 : memref<1x128x128xf32, #tpu.memory_space<vmem>> -> memref<128x128xf32, #tpu.memory_space<vmem>>
    %dma_start3A_77 = arith.constant 0 : i32
    %dma_start3A_78 = tpu.memref_slice %arg14[%add3A_70, %dma_start3A_77] : memref<4096x128xf32, #tpu.memory_space<vmem_shared>> -> memref<128x128xf32, #tpu.memory_space<vmem_shared>>
    %dma_start3A_79 = tpu.memref_slice %arg18[%dma_start3A_72] : memref<4x!tpu.dma_semaphore, #tpu.memory_space<semaphore_mem>> -> memref<1x!tpu.dma_semaphore, #tpu.memory_space<semaphore_mem>>
    %dma_start3A_80 = tpu.memref_squeeze %dma_start3A_79 : memref<1x!tpu.dma_semaphore, #tpu.memory_space<semaphore_mem>> -> memref<!tpu.dma_semaphore, #tpu.memory_space<semaphore_mem>>
    %dma_start3A_81 = arith.constant 0 : i32
    %dma_start3A_82 = arith.constant 0 : i32
    %dma_start3A_83 = tpu.memref_slice %arg15[%dma_start3A_71, %dma_start3A_81, %dma_start3A_82] : memref<4x128x128xf32, #tpu.memory_space<vmem>> -> memref<1x128x128xf32, #tpu.memory_space<vmem>>
    %dma_start3A_84 = tpu.memref_squeeze %dma_start3A_83 : memref<1x128x128xf32, #tpu.memory_space<vmem>> -> memref<128x128xf32, #tpu.memory_space<vmem>>
    %dma_start3A_85 = arith.constant 0 : i32
    %dma_start3A_86 = tpu.memref_slice %arg14[%add3A_70, %dma_start3A_85] : memref<4096x128xf32, #tpu.memory_space<vmem_shared>> -> memref<128x128xf32, #tpu.memory_space<vmem_shared>>
    tpu.enqueue_dma source(%dma_start3A_86 : memref<128x128xf32, #tpu.memory_space<vmem_shared>>) target(%dma_start3A_84 : memref<128x128xf32, #tpu.memory_space<vmem>>) target_semaphore(%dma_start3A_80 : memref<!tpu.dma_semaphore, #tpu.memory_space<semaphore_mem>>)
    %mul3A_87 = arith.constant 256 : i32
    %mul3A_88 = arith.muli %arg1, %mul3A_87 : i32
    %add3A_89 = arith.constant 128 : i32
    %add3A_90 = arith.addi %mul3A_88, %add3A_89 : i32
    %dma_start3A_91 = arith.constant 1 : i32
    %dma_start3A_92 = arith.constant 1 : i32
    %dma_start3A_93 = arith.constant 0 : i32
    %dma_start3A_94 = arith.constant 0 : i32
    %dma_start3A_95 = tpu.memref_slice %arg15[%dma_start3A_91, %dma_start3A_93, %dma_start3A_94] : memref<4x128x128xf32, #tpu.memory_space<vmem>> -> memref<1x128x128xf32, #tpu.memory_space<vmem>>
    %dma_start3A_96 = tpu.memref_squeeze %dma_start3A_95 : memref<1x128x128xf32, #tpu.memory_space<vmem>> -> memref<128x128xf32, #tpu.memory_space<vmem>>
    %dma_start3A_97 = arith.constant 0 : i32
    %dma_start3A_98 = tpu.memref_slice %arg14[%add3A_90, %dma_start3A_97] : memref<4096x128xf32, #tpu.memory_space<vmem_shared>> -> memref<128x128xf32, #tpu.memory_space<vmem_shared>>
    %dma_start3A_99 = tpu.memref_slice %arg18[%dma_start3A_92] : memref<4x!tpu.dma_semaphore, #tpu.memory_space<semaphore_mem>> -> memref<1x!tpu.dma_semaphore, #tpu.memory_space<semaphore_mem>>
    %dma_start3A_100 = tpu.memref_squeeze %dma_start3A_99 : memref<1x!tpu.dma_semaphore, #tpu.memory_space<semaphore_mem>> -> memref<!tpu.dma_semaphore, #tpu.memory_space<semaphore_mem>>
    %dma_start3A_101 = arith.constant 0 : i32
    %dma_start3A_102 = arith.constant 0 : i32
    %dma_start3A_103 = tpu.memref_slice %arg15[%dma_start3A_91, %dma_start3A_101, %dma_start3A_102] : memref<4x128x128xf32, #tpu.memory_space<vmem>> -> memref<1x128x128xf32, #tpu.memory_space<vmem>>
    %dma_start3A_104 = tpu.memref_squeeze %dma_start3A_103 : memref<1x128x128xf32, #tpu.memory_space<vmem>> -> memref<128x128xf32, #tpu.memory_space<vmem>>
    %dma_start3A_105 = arith.constant 0 : i32
    %dma_start3A_106 = tpu.memref_slice %arg14[%add3A_90, %dma_start3A_105] : memref<4096x128xf32, #tpu.memory_space<vmem_shared>> -> memref<128x128xf32, #tpu.memory_space<vmem_shared>>
    tpu.enqueue_dma source(%dma_start3A_106 : memref<128x128xf32, #tpu.memory_space<vmem_shared>>) target(%dma_start3A_104 : memref<128x128xf32, #tpu.memory_space<vmem>>) target_semaphore(%dma_start3A_100 : memref<!tpu.dma_semaphore, #tpu.memory_space<semaphore_mem>>)
    %mul3A_107 = arith.constant 256 : i32
    %mul3A_108 = arith.muli %arg1, %mul3A_107 : i32
    %add3A_109 = arith.constant 0 : i32
    %add3A_110 = arith.addi %mul3A_108, %add3A_109 : i32
    %dma_start3A_111 = arith.constant 2 : i32
    %dma_start3A_112 = arith.constant 2 : i32
    %dma_start3A_113 = arith.constant 0 : i32
    %dma_start3A_114 = arith.constant 0 : i32
    %dma_start3A_115 = tpu.memref_slice %arg15[%dma_start3A_111, %dma_start3A_113, %dma_start3A_114] : memref<4x128x128xf32, #tpu.memory_space<vmem>> -> memref<1x128x128xf32, #tpu.memory_space<vmem>>
    %dma_start3A_116 = tpu.memref_squeeze %dma_start3A_115 : memref<1x128x128xf32, #tpu.memory_space<vmem>> -> memref<128x128xf32, #tpu.memory_space<vmem>>
    %dma_start3A_117 = arith.constant 0 : i32
    %dma_start3A_118 = tpu.memref_slice %arg14[%add3A_110, %dma_start3A_117] : memref<4096x128xf32, #tpu.memory_space<vmem_shared>> -> memref<128x128xf32, #tpu.memory_space<vmem_shared>>
    %dma_start3A_119 = tpu.memref_slice %arg18[%dma_start3A_112] : memref<4x!tpu.dma_semaphore, #tpu.memory_space<semaphore_mem>> -> memref<1x!tpu.dma_semaphore, #tpu.memory_space<semaphore_mem>>
    %dma_start3A_120 = tpu.memref_squeeze %dma_start3A_119 : memref<1x!tpu.dma_semaphore, #tpu.memory_space<semaphore_mem>> -> memref<!tpu.dma_semaphore, #tpu.memory_space<semaphore_mem>>
    %dma_start3A_121 = arith.constant 0 : i32
    %dma_start3A_122 = arith.constant 0 : i32
    %dma_start3A_123 = tpu.memref_slice %arg15[%dma_start3A_111, %dma_start3A_121, %dma_start3A_122] : memref<4x128x128xf32, #tpu.memory_space<vmem>> -> memref<1x128x128xf32, #tpu.memory_space<vmem>>
    %dma_start3A_124 = tpu.memref_squeeze %dma_start3A_123 : memref<1x128x128xf32, #tpu.memory_space<vmem>> -> memref<128x128xf32, #tpu.memory_space<vmem>>
    %dma_start3A_125 = arith.constant 0 : i32
    %dma_start3A_126 = tpu.memref_slice %arg14[%add3A_110, %dma_start3A_125] : memref<4096x128xf32, #tpu.memory_space<vmem_shared>> -> memref<128x128xf32, #tpu.memory_space<vmem_shared>>
    tpu.enqueue_dma source(%dma_start3A_126 : memref<128x128xf32, #tpu.memory_space<vmem_shared>>) target(%dma_start3A_124 : memref<128x128xf32, #tpu.memory_space<vmem>>) target_semaphore(%dma_start3A_120 : memref<!tpu.dma_semaphore, #tpu.memory_space<semaphore_mem>>)
    %mul3A_127 = arith.constant 256 : i32
    %mul3A_128 = arith.muli %arg1, %mul3A_127 : i32
    %add3A_129 = arith.constant 128 : i32
    %add3A_130 = arith.addi %mul3A_128, %add3A_129 : i32
    %dma_start3A_131 = arith.constant 3 : i32
    %dma_start3A_132 = arith.constant 3 : i32
    %dma_start3A_133 = arith.constant 0 : i32
    %dma_start3A_134 = arith.constant 0 : i32
    %dma_start3A_135 = tpu.memref_slice %arg15[%dma_start3A_131, %dma_start3A_133, %dma_start3A_134] : memref<4x128x128xf32, #tpu.memory_space<vmem>> -> memref<1x128x128xf32, #tpu.memory_space<vmem>>
    %dma_start3A_136 = tpu.memref_squeeze %dma_start3A_135 : memref<1x128x128xf32, #tpu.memory_space<vmem>> -> memref<128x128xf32, #tpu.memory_space<vmem>>
    %dma_start3A_137 = arith.constant 0 : i32
    %dma_start3A_138 = tpu.memref_slice %arg14[%add3A_130, %dma_start3A_137] : memref<4096x128xf32, #tpu.memory_space<vmem_shared>> -> memref<128x128xf32, #tpu.memory_space<vmem_shared>>
    %dma_start3A_139 = tpu.memref_slice %arg18[%dma_start3A_132] : memref<4x!tpu.dma_semaphore, #tpu.memory_space<semaphore_mem>> -> memref<1x!tpu.dma_semaphore, #tpu.memory_space<semaphore_mem>>
    %dma_start3A_140 = tpu.memref_squeeze %dma_start3A_139 : memref<1x!tpu.dma_semaphore, #tpu.memory_space<semaphore_mem>> -> memref<!tpu.dma_semaphore, #tpu.memory_space<semaphore_mem>>
    %dma_start3A_141 = arith.constant 0 : i32
    %dma_start3A_142 = arith.constant 0 : i32
    %dma_start3A_143 = tpu.memref_slice %arg15[%dma_start3A_131, %dma_start3A_141, %dma_start3A_142] : memref<4x128x128xf32, #tpu.memory_space<vmem>> -> memref<1x128x128xf32, #tpu.memory_space<vmem>>
    %dma_start3A_144 = tpu.memref_squeeze %dma_start3A_143 : memref<1x128x128xf32, #tpu.memory_space<vmem>> -> memref<128x128xf32, #tpu.memory_space<vmem>>
    %dma_start3A_145 = arith.constant 0 : i32
    %dma_start3A_146 = tpu.memref_slice %arg14[%add3A_130, %dma_start3A_145] : memref<4096x128xf32, #tpu.memory_space<vmem_shared>> -> memref<128x128xf32, #tpu.memory_space<vmem_shared>>
    tpu.enqueue_dma source(%dma_start3A_146 : memref<128x128xf32, #tpu.memory_space<vmem_shared>>) target(%dma_start3A_144 : memref<128x128xf32, #tpu.memory_space<vmem>>) target_semaphore(%dma_start3A_140 : memref<!tpu.dma_semaphore, #tpu.memory_space<semaphore_mem>>)
    %add3A_147 = arith.constant 0 : i32
    %add3A_148 = arith.addi %mul3A_2, %add3A_147 : i32
    %dma_wait3A_149 = arith.constant 0 : i32
    %dma_wait3A_150 = tpu.memref_slice %arg2[%dma_wait3A_149, %add3A_148] : memref<4x8192xi32, #tpu.memory_space<hbm>> -> memref<1x128xi32, #tpu.memory_space<hbm>>
    %dma_wait3A_151 = tpu.memref_squeeze %dma_wait3A_150 : memref<1x128xi32, #tpu.memory_space<hbm>> -> memref<128xi32, #tpu.memory_space<hbm>>
    %dma_wait3A_152 = tpu.memref_slice %arg2[%dma_wait3A_149, %add3A_148] : memref<4x8192xi32, #tpu.memory_space<hbm>> -> memref<1x128xi32, #tpu.memory_space<hbm>>
    %dma_wait3A_153 = tpu.memref_squeeze %dma_wait3A_152 : memref<1x128xi32, #tpu.memory_space<hbm>> -> memref<128xi32, #tpu.memory_space<hbm>>
    tpu.wait_dma2 semaphore(%arg16 : memref<!tpu.dma_semaphore, #tpu.memory_space<semaphore_mem>>) src(%dma_wait3A_153 : memref<128xi32, #tpu.memory_space<hbm>>) dst(%arg6 : memref<128xi32, #tpu.memory_space<vmem>>)
    %add3A_154 = arith.constant 128 : i32
    %add3A_155 = arith.addi %mul3A_2, %add3A_154 : i32
    %dma_wait3A_156 = arith.constant 0 : i32
    %dma_wait3A_157 = tpu.memref_slice %arg2[%dma_wait3A_156, %add3A_155] : memref<4x8192xi32, #tpu.memory_space<hbm>> -> memref<1x128xi32, #tpu.memory_space<hbm>>
    %dma_wait3A_158 = tpu.memref_squeeze %dma_wait3A_157 : memref<1x128xi32, #tpu.memory_space<hbm>> -> memref<128xi32, #tpu.memory_space<hbm>>
    %dma_wait3A_159 = tpu.memref_slice %arg2[%dma_wait3A_156, %add3A_155] : memref<4x8192xi32, #tpu.memory_space<hbm>> -> memref<1x128xi32, #tpu.memory_space<hbm>>
    %dma_wait3A_160 = tpu.memref_squeeze %dma_wait3A_159 : memref<1x128xi32, #tpu.memory_space<hbm>> -> memref<128xi32, #tpu.memory_space<hbm>>
    tpu.wait_dma2 semaphore(%arg16 : memref<!tpu.dma_semaphore, #tpu.memory_space<semaphore_mem>>) src(%dma_wait3A_160 : memref<128xi32, #tpu.memory_space<hbm>>) dst(%arg7 : memref<128xi32, #tpu.memory_space<vmem>>)
    %add3A_161 = arith.constant 0 : i32
    %add3A_162 = arith.addi %mul3A_2, %add3A_161 : i32
    %dma_wait3A_163 = arith.constant 1 : i32
    %dma_wait3A_164 = tpu.memref_slice %arg2[%dma_wait3A_163, %add3A_162] : memref<4x8192xi32, #tpu.memory_space<hbm>> -> memref<1x128xi32, #tpu.memory_space<hbm>>
    %dma_wait3A_165 = tpu.memref_squeeze %dma_wait3A_164 : memref<1x128xi32, #tpu.memory_space<hbm>> -> memref<128xi32, #tpu.memory_space<hbm>>
    %dma_wait3A_166 = tpu.memref_slice %arg2[%dma_wait3A_163, %add3A_162] : memref<4x8192xi32, #tpu.memory_space<hbm>> -> memref<1x128xi32, #tpu.memory_space<hbm>>
    %dma_wait3A_167 = tpu.memref_squeeze %dma_wait3A_166 : memref<1x128xi32, #tpu.memory_space<hbm>> -> memref<128xi32, #tpu.memory_space<hbm>>
    tpu.wait_dma2 semaphore(%arg16 : memref<!tpu.dma_semaphore, #tpu.memory_space<semaphore_mem>>) src(%dma_wait3A_167 : memref<128xi32, #tpu.memory_space<hbm>>) dst(%arg8 : memref<128xi32, #tpu.memory_space<vmem>>)
    %add3A_168 = arith.constant 128 : i32
    %add3A_169 = arith.addi %mul3A_2, %add3A_168 : i32
    %dma_wait3A_170 = arith.constant 1 : i32
    %dma_wait3A_171 = tpu.memref_slice %arg2[%dma_wait3A_170, %add3A_169] : memref<4x8192xi32, #tpu.memory_space<hbm>> -> memref<1x128xi32, #tpu.memory_space<hbm>>
    %dma_wait3A_172 = tpu.memref_squeeze %dma_wait3A_171 : memref<1x128xi32, #tpu.memory_space<hbm>> -> memref<128xi32, #tpu.memory_space<hbm>>
    %dma_wait3A_173 = tpu.memref_slice %arg2[%dma_wait3A_170, %add3A_169] : memref<4x8192xi32, #tpu.memory_space<hbm>> -> memref<1x128xi32, #tpu.memory_space<hbm>>
    %dma_wait3A_174 = tpu.memref_squeeze %dma_wait3A_173 : memref<1x128xi32, #tpu.memory_space<hbm>> -> memref<128xi32, #tpu.memory_space<hbm>>
    tpu.wait_dma2 semaphore(%arg16 : memref<!tpu.dma_semaphore, #tpu.memory_space<semaphore_mem>>) src(%dma_wait3A_174 : memref<128xi32, #tpu.memory_space<hbm>>) dst(%arg9 : memref<128xi32, #tpu.memory_space<vmem>>)
    %add3A_175 = arith.constant 0 : i32
    %add3A_176 = arith.addi %mul3A_2, %add3A_175 : i32
    %dma_wait3A_177 = arith.constant 2 : i32
    %dma_wait3A_178 = tpu.memref_slice %arg2[%dma_wait3A_177, %add3A_176] : memref<4x8192xi32, #tpu.memory_space<hbm>> -> memref<1x128xi32, #tpu.memory_space<hbm>>
    %dma_wait3A_179 = tpu.memref_squeeze %dma_wait3A_178 : memref<1x128xi32, #tpu.memory_space<hbm>> -> memref<128xi32, #tpu.memory_space<hbm>>
    %dma_wait3A_180 = tpu.memref_slice %arg2[%dma_wait3A_177, %add3A_176] : memref<4x8192xi32, #tpu.memory_space<hbm>> -> memref<1x128xi32, #tpu.memory_space<hbm>>
    %dma_wait3A_181 = tpu.memref_squeeze %dma_wait3A_180 : memref<1x128xi32, #tpu.memory_space<hbm>> -> memref<128xi32, #tpu.memory_space<hbm>>
    tpu.wait_dma2 semaphore(%arg16 : memref<!tpu.dma_semaphore, #tpu.memory_space<semaphore_mem>>) src(%dma_wait3A_181 : memref<128xi32, #tpu.memory_space<hbm>>) dst(%arg10 : memref<128xi32, #tpu.memory_space<vmem>>)
    %add3A_182 = arith.constant 128 : i32
    %add3A_183 = arith.addi %mul3A_2, %add3A_182 : i32
    %dma_wait3A_184 = arith.constant 2 : i32
    %dma_wait3A_185 = tpu.memref_slice %arg2[%dma_wait3A_184, %add3A_183] : memref<4x8192xi32, #tpu.memory_space<hbm>> -> memref<1x128xi32, #tpu.memory_space<hbm>>
    %dma_wait3A_186 = tpu.memref_squeeze %dma_wait3A_185 : memref<1x128xi32, #tpu.memory_space<hbm>> -> memref<128xi32, #tpu.memory_space<hbm>>
    %dma_wait3A_187 = tpu.memref_slice %arg2[%dma_wait3A_184, %add3A_183] : memref<4x8192xi32, #tpu.memory_space<hbm>> -> memref<1x128xi32, #tpu.memory_space<hbm>>
    %dma_wait3A_188 = tpu.memref_squeeze %dma_wait3A_187 : memref<1x128xi32, #tpu.memory_space<hbm>> -> memref<128xi32, #tpu.memory_space<hbm>>
    tpu.wait_dma2 semaphore(%arg16 : memref<!tpu.dma_semaphore, #tpu.memory_space<semaphore_mem>>) src(%dma_wait3A_188 : memref<128xi32, #tpu.memory_space<hbm>>) dst(%arg11 : memref<128xi32, #tpu.memory_space<vmem>>)
    %add3A_189 = arith.constant 0 : i32
    %add3A_190 = arith.addi %mul3A_2, %add3A_189 : i32
    %dma_wait3A_191 = arith.constant 3 : i32
    %dma_wait3A_192 = tpu.memref_slice %arg2[%dma_wait3A_191, %add3A_190] : memref<4x8192xi32, #tpu.memory_space<hbm>> -> memref<1x128xi32, #tpu.memory_space<hbm>>
    %dma_wait3A_193 = tpu.memref_squeeze %dma_wait3A_192 : memref<1x128xi32, #tpu.memory_space<hbm>> -> memref<128xi32, #tpu.memory_space<hbm>>
    %dma_wait3A_194 = tpu.memref_slice %arg2[%dma_wait3A_191, %add3A_190] : memref<4x8192xi32, #tpu.memory_space<hbm>> -> memref<1x128xi32, #tpu.memory_space<hbm>>
    %dma_wait3A_195 = tpu.memref_squeeze %dma_wait3A_194 : memref<1x128xi32, #tpu.memory_space<hbm>> -> memref<128xi32, #tpu.memory_space<hbm>>
    tpu.wait_dma2 semaphore(%arg16 : memref<!tpu.dma_semaphore, #tpu.memory_space<semaphore_mem>>) src(%dma_wait3A_195 : memref<128xi32, #tpu.memory_space<hbm>>) dst(%arg12 : memref<128xi32, #tpu.memory_space<vmem>>)
    %add3A_196 = arith.constant 128 : i32
    %add3A_197 = arith.addi %mul3A_2, %add3A_196 : i32
    %dma_wait3A_198 = arith.constant 3 : i32
    %dma_wait3A_199 = tpu.memref_slice %arg2[%dma_wait3A_198, %add3A_197] : memref<4x8192xi32, #tpu.memory_space<hbm>> -> memref<1x128xi32, #tpu.memory_space<hbm>>
    %dma_wait3A_200 = tpu.memref_squeeze %dma_wait3A_199 : memref<1x128xi32, #tpu.memory_space<hbm>> -> memref<128xi32, #tpu.memory_space<hbm>>
    %dma_wait3A_201 = tpu.memref_slice %arg2[%dma_wait3A_198, %add3A_197] : memref<4x8192xi32, #tpu.memory_space<hbm>> -> memref<1x128xi32, #tpu.memory_space<hbm>>
    %dma_wait3A_202 = tpu.memref_squeeze %dma_wait3A_201 : memref<1x128xi32, #tpu.memory_space<hbm>> -> memref<128xi32, #tpu.memory_space<hbm>>
    tpu.wait_dma2 semaphore(%arg16 : memref<!tpu.dma_semaphore, #tpu.memory_space<semaphore_mem>>) src(%dma_wait3A_202 : memref<128xi32, #tpu.memory_space<hbm>>) dst(%arg13 : memref<128xi32, #tpu.memory_space<vmem>>)
    %mul3A_203 = arith.constant 256 : i32
    %mul3A_204 = arith.muli %arg1, %mul3A_203 : i32
    %add3A_205 = arith.constant 0 : i32
    %add3A_206 = arith.addi %mul3A_204, %add3A_205 : i32
    %dma_wait3A_207 = arith.constant 0 : i32
    %dma_wait3A_208 = arith.constant 0 : i32
    %dma_wait3A_209 = arith.constant 0 : i32
    %dma_wait3A_210 = arith.constant 0 : i32
    %dma_wait3A_211 = tpu.memref_slice %arg15[%dma_wait3A_207, %dma_wait3A_209, %dma_wait3A_210] : memref<4x128x128xf32, #tpu.memory_space<vmem>> -> memref<1x128x128xf32, #tpu.memory_space<vmem>>
    %dma_wait3A_212 = tpu.memref_squeeze %dma_wait3A_211 : memref<1x128x128xf32, #tpu.memory_space<vmem>> -> memref<128x128xf32, #tpu.memory_space<vmem>>
    %dma_wait3A_213 = arith.constant 0 : i32
    %dma_wait3A_214 = tpu.memref_slice %arg14[%add3A_206, %dma_wait3A_213] : memref<4096x128xf32, #tpu.memory_space<vmem_shared>> -> memref<128x128xf32, #tpu.memory_space<vmem_shared>>
    %dma_wait3A_215 = tpu.memref_slice %arg18[%dma_wait3A_208] : memref<4x!tpu.dma_semaphore, #tpu.memory_space<semaphore_mem>> -> memref<1x!tpu.dma_semaphore, #tpu.memory_space<semaphore_mem>>
    %dma_wait3A_216 = tpu.memref_squeeze %dma_wait3A_215 : memref<1x!tpu.dma_semaphore, #tpu.memory_space<semaphore_mem>> -> memref<!tpu.dma_semaphore, #tpu.memory_space<semaphore_mem>>
    %dma_wait3A_217 = arith.constant 0 : i32
    %dma_wait3A_218 = arith.constant 0 : i32
    %dma_wait3A_219 = tpu.memref_slice %arg15[%dma_wait3A_207, %dma_wait3A_217, %dma_wait3A_218] : memref<4x128x128xf32, #tpu.memory_space<vmem>> -> memref<1x128x128xf32, #tpu.memory_space<vmem>>
    %dma_wait3A_220 = tpu.memref_squeeze %dma_wait3A_219 : memref<1x128x128xf32, #tpu.memory_space<vmem>> -> memref<128x128xf32, #tpu.memory_space<vmem>>
    %dma_wait3A_221 = arith.constant 0 : i32
    %dma_wait3A_222 = tpu.memref_slice %arg14[%add3A_206, %dma_wait3A_221] : memref<4096x128xf32, #tpu.memory_space<vmem_shared>> -> memref<128x128xf32, #tpu.memory_space<vmem_shared>>
    tpu.wait_dma2 semaphore(%dma_wait3A_216 : memref<!tpu.dma_semaphore, #tpu.memory_space<semaphore_mem>>) src(%dma_wait3A_222 : memref<128x128xf32, #tpu.memory_space<vmem_shared>>) dst(%dma_wait3A_220 : memref<128x128xf32, #tpu.memory_space<vmem>>)
    %dma_start3A_223 = arith.constant 0 : i32
    %dma_start3A_224 = arith.constant 0 : i32
    %dma_start3A_225 = arith.constant 0 : i32
    %dma_start3A_226 = arith.constant 0 : i32
    %dma_start3A_227 = tpu.memref_slice %arg15[%dma_start3A_223, %dma_start3A_225, %dma_start3A_226] : memref<4x128x128xf32, #tpu.memory_space<vmem>> -> memref<1x128x128xf32, #tpu.memory_space<vmem>>
    %dma_start3A_228 = tpu.memref_squeeze %dma_start3A_227 : memref<1x128x128xf32, #tpu.memory_space<vmem>> -> memref<128x128xf32, #tpu.memory_space<vmem>>
    %dma_start3A_229 = arith.constant 0 : i32
    %dma_start3A_230 = arith.constant 0 : i32
    %dma_start3A_231 = tpu.memref_slice %arg3[%dma_start3A_229, %dma_start3A_230] : memref<1000000x128xf32, #tpu.memory_space<hbm>> -> memref<1000000x128xf32, #tpu.memory_space<hbm>>
    %dma_start3A_232 = tpu.memref_slice %arg19[%dma_start3A_224] : memref<4x!tpu.dma_semaphore, #tpu.memory_space<semaphore_mem>> -> memref<1x!tpu.dma_semaphore, #tpu.memory_space<semaphore_mem>>
    %dma_start3A_233 = tpu.memref_squeeze %dma_start3A_232 : memref<1x!tpu.dma_semaphore, #tpu.memory_space<semaphore_mem>> -> memref<!tpu.dma_semaphore, #tpu.memory_space<semaphore_mem>>
    tpu.enqueue_indirect_dma source(%dma_start3A_231 : memref<1000000x128xf32, #tpu.memory_space<hbm>>) target(%dma_start3A_228 : memref<128x128xf32, #tpu.memory_space<vmem>>) offsets(%arg6 : memref<128xi32, #tpu.memory_space<vmem>>) semaphore(%dma_start3A_233 : memref<!tpu.dma_semaphore, #tpu.memory_space<semaphore_mem>>) {add = true}
    %mul3A_234 = arith.constant 256 : i32
    %mul3A_235 = arith.muli %arg1, %mul3A_234 : i32
    %add3A_236 = arith.constant 128 : i32
    %add3A_237 = arith.addi %mul3A_235, %add3A_236 : i32
    %dma_wait3A_238 = arith.constant 1 : i32
    %dma_wait3A_239 = arith.constant 1 : i32
    %dma_wait3A_240 = arith.constant 0 : i32
    %dma_wait3A_241 = arith.constant 0 : i32
    %dma_wait3A_242 = tpu.memref_slice %arg15[%dma_wait3A_238, %dma_wait3A_240, %dma_wait3A_241] : memref<4x128x128xf32, #tpu.memory_space<vmem>> -> memref<1x128x128xf32, #tpu.memory_space<vmem>>
    %dma_wait3A_243 = tpu.memref_squeeze %dma_wait3A_242 : memref<1x128x128xf32, #tpu.memory_space<vmem>> -> memref<128x128xf32, #tpu.memory_space<vmem>>
    %dma_wait3A_244 = arith.constant 0 : i32
    %dma_wait3A_245 = tpu.memref_slice %arg14[%add3A_237, %dma_wait3A_244] : memref<4096x128xf32, #tpu.memory_space<vmem_shared>> -> memref<128x128xf32, #tpu.memory_space<vmem_shared>>
    %dma_wait3A_246 = tpu.memref_slice %arg18[%dma_wait3A_239] : memref<4x!tpu.dma_semaphore, #tpu.memory_space<semaphore_mem>> -> memref<1x!tpu.dma_semaphore, #tpu.memory_space<semaphore_mem>>
    %dma_wait3A_247 = tpu.memref_squeeze %dma_wait3A_246 : memref<1x!tpu.dma_semaphore, #tpu.memory_space<semaphore_mem>> -> memref<!tpu.dma_semaphore, #tpu.memory_space<semaphore_mem>>
    %dma_wait3A_248 = arith.constant 0 : i32
    %dma_wait3A_249 = arith.constant 0 : i32
    %dma_wait3A_250 = tpu.memref_slice %arg15[%dma_wait3A_238, %dma_wait3A_248, %dma_wait3A_249] : memref<4x128x128xf32, #tpu.memory_space<vmem>> -> memref<1x128x128xf32, #tpu.memory_space<vmem>>
    %dma_wait3A_251 = tpu.memref_squeeze %dma_wait3A_250 : memref<1x128x128xf32, #tpu.memory_space<vmem>> -> memref<128x128xf32, #tpu.memory_space<vmem>>
    %dma_wait3A_252 = arith.constant 0 : i32
    %dma_wait3A_253 = tpu.memref_slice %arg14[%add3A_237, %dma_wait3A_252] : memref<4096x128xf32, #tpu.memory_space<vmem_shared>> -> memref<128x128xf32, #tpu.memory_space<vmem_shared>>
    tpu.wait_dma2 semaphore(%dma_wait3A_247 : memref<!tpu.dma_semaphore, #tpu.memory_space<semaphore_mem>>) src(%dma_wait3A_253 : memref<128x128xf32, #tpu.memory_space<vmem_shared>>) dst(%dma_wait3A_251 : memref<128x128xf32, #tpu.memory_space<vmem>>)
    %dma_start3A_254 = arith.constant 1 : i32
    %dma_start3A_255 = arith.constant 1 : i32
    %dma_start3A_256 = arith.constant 0 : i32
    %dma_start3A_257 = arith.constant 0 : i32
    %dma_start3A_258 = tpu.memref_slice %arg15[%dma_start3A_254, %dma_start3A_256, %dma_start3A_257] : memref<4x128x128xf32, #tpu.memory_space<vmem>> -> memref<1x128x128xf32, #tpu.memory_space<vmem>>
    %dma_start3A_259 = tpu.memref_squeeze %dma_start3A_258 : memref<1x128x128xf32, #tpu.memory_space<vmem>> -> memref<128x128xf32, #tpu.memory_space<vmem>>
    %dma_start3A_260 = arith.constant 0 : i32
    %dma_start3A_261 = arith.constant 0 : i32
    %dma_start3A_262 = tpu.memref_slice %arg3[%dma_start3A_260, %dma_start3A_261] : memref<1000000x128xf32, #tpu.memory_space<hbm>> -> memref<1000000x128xf32, #tpu.memory_space<hbm>>
    %dma_start3A_263 = tpu.memref_slice %arg19[%dma_start3A_255] : memref<4x!tpu.dma_semaphore, #tpu.memory_space<semaphore_mem>> -> memref<1x!tpu.dma_semaphore, #tpu.memory_space<semaphore_mem>>
    %dma_start3A_264 = tpu.memref_squeeze %dma_start3A_263 : memref<1x!tpu.dma_semaphore, #tpu.memory_space<semaphore_mem>> -> memref<!tpu.dma_semaphore, #tpu.memory_space<semaphore_mem>>
    tpu.enqueue_indirect_dma source(%dma_start3A_262 : memref<1000000x128xf32, #tpu.memory_space<hbm>>) target(%dma_start3A_259 : memref<128x128xf32, #tpu.memory_space<vmem>>) offsets(%arg7 : memref<128xi32, #tpu.memory_space<vmem>>) semaphore(%dma_start3A_264 : memref<!tpu.dma_semaphore, #tpu.memory_space<semaphore_mem>>) {add = true}
    %dma_wait3A_265 = arith.constant 0 : i32
    %dma_wait3A_266 = arith.constant 0 : i32
    %dma_wait3A_267 = arith.constant 0 : i32
    %dma_wait3A_268 = arith.constant 0 : i32
    %dma_wait3A_269 = tpu.memref_slice %arg15[%dma_wait3A_265, %dma_wait3A_267, %dma_wait3A_268] : memref<4x128x128xf32, #tpu.memory_space<vmem>> -> memref<1x128x128xf32, #tpu.memory_space<vmem>>
    %dma_wait3A_270 = tpu.memref_squeeze %dma_wait3A_269 : memref<1x128x128xf32, #tpu.memory_space<vmem>> -> memref<128x128xf32, #tpu.memory_space<vmem>>
    %dma_wait3A_271 = arith.constant 0 : i32
    %dma_wait3A_272 = arith.constant 0 : i32
    %dma_wait3A_273 = tpu.memref_slice %arg3[%dma_wait3A_271, %dma_wait3A_272] : memref<1000000x128xf32, #tpu.memory_space<hbm>> -> memref<1000000x128xf32, #tpu.memory_space<hbm>>
    %dma_wait3A_274 = tpu.memref_slice %arg19[%dma_wait3A_266] : memref<4x!tpu.dma_semaphore, #tpu.memory_space<semaphore_mem>> -> memref<1x!tpu.dma_semaphore, #tpu.memory_space<semaphore_mem>>
    %dma_wait3A_275 = tpu.memref_squeeze %dma_wait3A_274 : memref<1x!tpu.dma_semaphore, #tpu.memory_space<semaphore_mem>> -> memref<!tpu.dma_semaphore, #tpu.memory_space<semaphore_mem>>
    tpu.wait_indirect_dma semaphore(%dma_wait3A_275 : memref<!tpu.dma_semaphore, #tpu.memory_space<semaphore_mem>>) src(%dma_wait3A_273 : memref<1000000x128xf32, #tpu.memory_space<hbm>>) dst(%dma_wait3A_270 : memref<128x128xf32, #tpu.memory_space<vmem>>)
    %add3A_276 = arith.constant 0 : i32
    %add3A_277 = arith.addi %mul3A_2, %add3A_276 : i32
    %dma_start3A_278 = arith.constant 0 : i32
    %dma_start3A_279 = arith.constant 0 : i32
    %dma_start3A_280 = arith.constant 0 : i32
    %dma_start3A_281 = arith.constant 0 : i32
    %dma_start3A_282 = arith.constant 0 : i32
    %dma_start3A_283 = tpu.memref_slice %arg15[%dma_start3A_278, %dma_start3A_281, %dma_start3A_282] : memref<4x128x128xf32, #tpu.memory_space<vmem>> -> memref<1x128x128xf32, #tpu.memory_space<vmem>>
    %dma_start3A_284 = tpu.memref_squeeze %dma_start3A_283 : memref<1x128x128xf32, #tpu.memory_space<vmem>> -> memref<128x128xf32, #tpu.memory_space<vmem>>
    %dma_start3A_285 = arith.constant 0 : i32
    %dma_start3A_286 = tpu.memref_slice %arg5[%dma_start3A_279, %add3A_277, %dma_start3A_285] : memref<4x8192x128xf32, #tpu.memory_space<hbm>> -> memref<1x128x128xf32, #tpu.memory_space<hbm>>
    %dma_start3A_287 = tpu.memref_squeeze %dma_start3A_286 : memref<1x128x128xf32, #tpu.memory_space<hbm>> -> memref<128x128xf32, #tpu.memory_space<hbm>>
    %dma_start3A_288 = tpu.memref_slice %arg20[%dma_start3A_280] : memref<4x!tpu.dma_semaphore, #tpu.memory_space<semaphore_mem>> -> memref<1x!tpu.dma_semaphore, #tpu.memory_space<semaphore_mem>>
    %dma_start3A_289 = tpu.memref_squeeze %dma_start3A_288 : memref<1x!tpu.dma_semaphore, #tpu.memory_space<semaphore_mem>> -> memref<!tpu.dma_semaphore, #tpu.memory_space<semaphore_mem>>
    %dma_start3A_290 = arith.constant 0 : i32
    %dma_start3A_291 = tpu.memref_slice %arg5[%dma_start3A_279, %add3A_277, %dma_start3A_290] : memref<4x8192x128xf32, #tpu.memory_space<hbm>> -> memref<1x128x128xf32, #tpu.memory_space<hbm>>
    %dma_start3A_292 = tpu.memref_squeeze %dma_start3A_291 : memref<1x128x128xf32, #tpu.memory_space<hbm>> -> memref<128x128xf32, #tpu.memory_space<hbm>>
    %dma_start3A_293 = arith.constant 0 : i32
    %dma_start3A_294 = arith.constant 0 : i32
    %dma_start3A_295 = tpu.memref_slice %arg15[%dma_start3A_278, %dma_start3A_293, %dma_start3A_294] : memref<4x128x128xf32, #tpu.memory_space<vmem>> -> memref<1x128x128xf32, #tpu.memory_space<vmem>>
    %dma_start3A_296 = tpu.memref_squeeze %dma_start3A_295 : memref<1x128x128xf32, #tpu.memory_space<vmem>> -> memref<128x128xf32, #tpu.memory_space<vmem>>
    tpu.enqueue_dma source(%dma_start3A_296 : memref<128x128xf32, #tpu.memory_space<vmem>>) target(%dma_start3A_292 : memref<128x128xf32, #tpu.memory_space<hbm>>) target_semaphore(%dma_start3A_289 : memref<!tpu.dma_semaphore, #tpu.memory_space<semaphore_mem>>)
    %mul3A_297 = arith.constant 256 : i32
    %mul3A_298 = arith.muli %arg1, %mul3A_297 : i32
    %add3A_299 = arith.constant 0 : i32
    %add3A_300 = arith.addi %mul3A_298, %add3A_299 : i32
    %dma_wait3A_301 = arith.constant 2 : i32
    %dma_wait3A_302 = arith.constant 2 : i32
    %dma_wait3A_303 = arith.constant 0 : i32
    %dma_wait3A_304 = arith.constant 0 : i32
    %dma_wait3A_305 = tpu.memref_slice %arg15[%dma_wait3A_301, %dma_wait3A_303, %dma_wait3A_304] : memref<4x128x128xf32, #tpu.memory_space<vmem>> -> memref<1x128x128xf32, #tpu.memory_space<vmem>>
    %dma_wait3A_306 = tpu.memref_squeeze %dma_wait3A_305 : memref<1x128x128xf32, #tpu.memory_space<vmem>> -> memref<128x128xf32, #tpu.memory_space<vmem>>
    %dma_wait3A_307 = arith.constant 0 : i32
    %dma_wait3A_308 = tpu.memref_slice %arg14[%add3A_300, %dma_wait3A_307] : memref<4096x128xf32, #tpu.memory_space<vmem_shared>> -> memref<128x128xf32, #tpu.memory_space<vmem_shared>>
    %dma_wait3A_309 = tpu.memref_slice %arg18[%dma_wait3A_302] : memref<4x!tpu.dma_semaphore, #tpu.memory_space<semaphore_mem>> -> memref<1x!tpu.dma_semaphore, #tpu.memory_space<semaphore_mem>>
    %dma_wait3A_310 = tpu.memref_squeeze %dma_wait3A_309 : memref<1x!tpu.dma_semaphore, #tpu.memory_space<semaphore_mem>> -> memref<!tpu.dma_semaphore, #tpu.memory_space<semaphore_mem>>
    %dma_wait3A_311 = arith.constant 0 : i32
    %dma_wait3A_312 = arith.constant 0 : i32
    %dma_wait3A_313 = tpu.memref_slice %arg15[%dma_wait3A_301, %dma_wait3A_311, %dma_wait3A_312] : memref<4x128x128xf32, #tpu.memory_space<vmem>> -> memref<1x128x128xf32, #tpu.memory_space<vmem>>
    %dma_wait3A_314 = tpu.memref_squeeze %dma_wait3A_313 : memref<1x128x128xf32, #tpu.memory_space<vmem>> -> memref<128x128xf32, #tpu.memory_space<vmem>>
    %dma_wait3A_315 = arith.constant 0 : i32
    %dma_wait3A_316 = tpu.memref_slice %arg14[%add3A_300, %dma_wait3A_315] : memref<4096x128xf32, #tpu.memory_space<vmem_shared>> -> memref<128x128xf32, #tpu.memory_space<vmem_shared>>
    tpu.wait_dma2 semaphore(%dma_wait3A_310 : memref<!tpu.dma_semaphore, #tpu.memory_space<semaphore_mem>>) src(%dma_wait3A_316 : memref<128x128xf32, #tpu.memory_space<vmem_shared>>) dst(%dma_wait3A_314 : memref<128x128xf32, #tpu.memory_space<vmem>>)
    %dma_start3A_317 = arith.constant 2 : i32
    %dma_start3A_318 = arith.constant 2 : i32
    %dma_start3A_319 = arith.constant 0 : i32
    %dma_start3A_320 = arith.constant 0 : i32
    %dma_start3A_321 = tpu.memref_slice %arg15[%dma_start3A_317, %dma_start3A_319, %dma_start3A_320] : memref<4x128x128xf32, #tpu.memory_space<vmem>> -> memref<1x128x128xf32, #tpu.memory_space<vmem>>
    %dma_start3A_322 = tpu.memref_squeeze %dma_start3A_321 : memref<1x128x128xf32, #tpu.memory_space<vmem>> -> memref<128x128xf32, #tpu.memory_space<vmem>>
    %dma_start3A_323 = arith.constant 0 : i32
    %dma_start3A_324 = arith.constant 0 : i32
    %dma_start3A_325 = tpu.memref_slice %arg3[%dma_start3A_323, %dma_start3A_324] : memref<1000000x128xf32, #tpu.memory_space<hbm>> -> memref<1000000x128xf32, #tpu.memory_space<hbm>>
    %dma_start3A_326 = tpu.memref_slice %arg19[%dma_start3A_318] : memref<4x!tpu.dma_semaphore, #tpu.memory_space<semaphore_mem>> -> memref<1x!tpu.dma_semaphore, #tpu.memory_space<semaphore_mem>>
    %dma_start3A_327 = tpu.memref_squeeze %dma_start3A_326 : memref<1x!tpu.dma_semaphore, #tpu.memory_space<semaphore_mem>> -> memref<!tpu.dma_semaphore, #tpu.memory_space<semaphore_mem>>
    tpu.enqueue_indirect_dma source(%dma_start3A_325 : memref<1000000x128xf32, #tpu.memory_space<hbm>>) target(%dma_start3A_322 : memref<128x128xf32, #tpu.memory_space<vmem>>) offsets(%arg8 : memref<128xi32, #tpu.memory_space<vmem>>) semaphore(%dma_start3A_327 : memref<!tpu.dma_semaphore, #tpu.memory_space<semaphore_mem>>) {add = true}
    %dma_wait3A_328 = arith.constant 1 : i32
    %dma_wait3A_329 = arith.constant 1 : i32
    %dma_wait3A_330 = arith.constant 0 : i32
    %dma_wait3A_331 = arith.constant 0 : i32
    %dma_wait3A_332 = tpu.memref_slice %arg15[%dma_wait3A_328, %dma_wait3A_330, %dma_wait3A_331] : memref<4x128x128xf32, #tpu.memory_space<vmem>> -> memref<1x128x128xf32, #tpu.memory_space<vmem>>
    %dma_wait3A_333 = tpu.memref_squeeze %dma_wait3A_332 : memref<1x128x128xf32, #tpu.memory_space<vmem>> -> memref<128x128xf32, #tpu.memory_space<vmem>>
    %dma_wait3A_334 = arith.constant 0 : i32
    %dma_wait3A_335 = arith.constant 0 : i32
    %dma_wait3A_336 = tpu.memref_slice %arg3[%dma_wait3A_334, %dma_wait3A_335] : memref<1000000x128xf32, #tpu.memory_space<hbm>> -> memref<1000000x128xf32, #tpu.memory_space<hbm>>
    %dma_wait3A_337 = tpu.memref_slice %arg19[%dma_wait3A_329] : memref<4x!tpu.dma_semaphore, #tpu.memory_space<semaphore_mem>> -> memref<1x!tpu.dma_semaphore, #tpu.memory_space<semaphore_mem>>
    %dma_wait3A_338 = tpu.memref_squeeze %dma_wait3A_337 : memref<1x!tpu.dma_semaphore, #tpu.memory_space<semaphore_mem>> -> memref<!tpu.dma_semaphore, #tpu.memory_space<semaphore_mem>>
    tpu.wait_indirect_dma semaphore(%dma_wait3A_338 : memref<!tpu.dma_semaphore, #tpu.memory_space<semaphore_mem>>) src(%dma_wait3A_336 : memref<1000000x128xf32, #tpu.memory_space<hbm>>) dst(%dma_wait3A_333 : memref<128x128xf32, #tpu.memory_space<vmem>>)
    %add3A_339 = arith.constant 128 : i32
    %add3A_340 = arith.addi %mul3A_2, %add3A_339 : i32
    %dma_start3A_341 = arith.constant 1 : i32
    %dma_start3A_342 = arith.constant 0 : i32
    %dma_start3A_343 = arith.constant 1 : i32
    %dma_start3A_344 = arith.constant 0 : i32
    %dma_start3A_345 = arith.constant 0 : i32
    %dma_start3A_346 = tpu.memref_slice %arg15[%dma_start3A_341, %dma_start3A_344, %dma_start3A_345] : memref<4x128x128xf32, #tpu.memory_space<vmem>> -> memref<1x128x128xf32, #tpu.memory_space<vmem>>
    %dma_start3A_347 = tpu.memref_squeeze %dma_start3A_346 : memref<1x128x128xf32, #tpu.memory_space<vmem>> -> memref<128x128xf32, #tpu.memory_space<vmem>>
    %dma_start3A_348 = arith.constant 0 : i32
    %dma_start3A_349 = tpu.memref_slice %arg5[%dma_start3A_342, %add3A_340, %dma_start3A_348] : memref<4x8192x128xf32, #tpu.memory_space<hbm>> -> memref<1x128x128xf32, #tpu.memory_space<hbm>>
    %dma_start3A_350 = tpu.memref_squeeze %dma_start3A_349 : memref<1x128x128xf32, #tpu.memory_space<hbm>> -> memref<128x128xf32, #tpu.memory_space<hbm>>
    %dma_start3A_351 = tpu.memref_slice %arg20[%dma_start3A_343] : memref<4x!tpu.dma_semaphore, #tpu.memory_space<semaphore_mem>> -> memref<1x!tpu.dma_semaphore, #tpu.memory_space<semaphore_mem>>
    %dma_start3A_352 = tpu.memref_squeeze %dma_start3A_351 : memref<1x!tpu.dma_semaphore, #tpu.memory_space<semaphore_mem>> -> memref<!tpu.dma_semaphore, #tpu.memory_space<semaphore_mem>>
    %dma_start3A_353 = arith.constant 0 : i32
    %dma_start3A_354 = tpu.memref_slice %arg5[%dma_start3A_342, %add3A_340, %dma_start3A_353] : memref<4x8192x128xf32, #tpu.memory_space<hbm>> -> memref<1x128x128xf32, #tpu.memory_space<hbm>>
    %dma_start3A_355 = tpu.memref_squeeze %dma_start3A_354 : memref<1x128x128xf32, #tpu.memory_space<hbm>> -> memref<128x128xf32, #tpu.memory_space<hbm>>
    %dma_start3A_356 = arith.constant 0 : i32
    %dma_start3A_357 = arith.constant 0 : i32
    %dma_start3A_358 = tpu.memref_slice %arg15[%dma_start3A_341, %dma_start3A_356, %dma_start3A_357] : memref<4x128x128xf32, #tpu.memory_space<vmem>> -> memref<1x128x128xf32, #tpu.memory_space<vmem>>
    %dma_start3A_359 = tpu.memref_squeeze %dma_start3A_358 : memref<1x128x128xf32, #tpu.memory_space<vmem>> -> memref<128x128xf32, #tpu.memory_space<vmem>>
    tpu.enqueue_dma source(%dma_start3A_359 : memref<128x128xf32, #tpu.memory_space<vmem>>) target(%dma_start3A_355 : memref<128x128xf32, #tpu.memory_space<hbm>>) target_semaphore(%dma_start3A_352 : memref<!tpu.dma_semaphore, #tpu.memory_space<semaphore_mem>>)
    %mul3A_360 = arith.constant 256 : i32
    %mul3A_361 = arith.muli %arg1, %mul3A_360 : i32
    %add3A_362 = arith.constant 128 : i32
    %add3A_363 = arith.addi %mul3A_361, %add3A_362 : i32
    %dma_wait3A_364 = arith.constant 3 : i32
    %dma_wait3A_365 = arith.constant 3 : i32
    %dma_wait3A_366 = arith.constant 0 : i32
    %dma_wait3A_367 = arith.constant 0 : i32
    %dma_wait3A_368 = tpu.memref_slice %arg15[%dma_wait3A_364, %dma_wait3A_366, %dma_wait3A_367] : memref<4x128x128xf32, #tpu.memory_space<vmem>> -> memref<1x128x128xf32, #tpu.memory_space<vmem>>
    %dma_wait3A_369 = tpu.memref_squeeze %dma_wait3A_368 : memref<1x128x128xf32, #tpu.memory_space<vmem>> -> memref<128x128xf32, #tpu.memory_space<vmem>>
    %dma_wait3A_370 = arith.constant 0 : i32
    %dma_wait3A_371 = tpu.memref_slice %arg14[%add3A_363, %dma_wait3A_370] : memref<4096x128xf32, #tpu.memory_space<vmem_shared>> -> memref<128x128xf32, #tpu.memory_space<vmem_shared>>
    %dma_wait3A_372 = tpu.memref_slice %arg18[%dma_wait3A_365] : memref<4x!tpu.dma_semaphore, #tpu.memory_space<semaphore_mem>> -> memref<1x!tpu.dma_semaphore, #tpu.memory_space<semaphore_mem>>
    %dma_wait3A_373 = tpu.memref_squeeze %dma_wait3A_372 : memref<1x!tpu.dma_semaphore, #tpu.memory_space<semaphore_mem>> -> memref<!tpu.dma_semaphore, #tpu.memory_space<semaphore_mem>>
    %dma_wait3A_374 = arith.constant 0 : i32
    %dma_wait3A_375 = arith.constant 0 : i32
    %dma_wait3A_376 = tpu.memref_slice %arg15[%dma_wait3A_364, %dma_wait3A_374, %dma_wait3A_375] : memref<4x128x128xf32, #tpu.memory_space<vmem>> -> memref<1x128x128xf32, #tpu.memory_space<vmem>>
    %dma_wait3A_377 = tpu.memref_squeeze %dma_wait3A_376 : memref<1x128x128xf32, #tpu.memory_space<vmem>> -> memref<128x128xf32, #tpu.memory_space<vmem>>
    %dma_wait3A_378 = arith.constant 0 : i32
    %dma_wait3A_379 = tpu.memref_slice %arg14[%add3A_363, %dma_wait3A_378] : memref<4096x128xf32, #tpu.memory_space<vmem_shared>> -> memref<128x128xf32, #tpu.memory_space<vmem_shared>>
    tpu.wait_dma2 semaphore(%dma_wait3A_373 : memref<!tpu.dma_semaphore, #tpu.memory_space<semaphore_mem>>) src(%dma_wait3A_379 : memref<128x128xf32, #tpu.memory_space<vmem_shared>>) dst(%dma_wait3A_377 : memref<128x128xf32, #tpu.memory_space<vmem>>)
    %dma_start3A_380 = arith.constant 3 : i32
    %dma_start3A_381 = arith.constant 3 : i32
    %dma_start3A_382 = arith.constant 0 : i32
    %dma_start3A_383 = arith.constant 0 : i32
    %dma_start3A_384 = tpu.memref_slice %arg15[%dma_start3A_380, %dma_start3A_382, %dma_start3A_383] : memref<4x128x128xf32, #tpu.memory_space<vmem>> -> memref<1x128x128xf32, #tpu.memory_space<vmem>>
    %dma_start3A_385 = tpu.memref_squeeze %dma_start3A_384 : memref<1x128x128xf32, #tpu.memory_space<vmem>> -> memref<128x128xf32, #tpu.memory_space<vmem>>
    %dma_start3A_386 = arith.constant 0 : i32
    %dma_start3A_387 = arith.constant 0 : i32
    %dma_start3A_388 = tpu.memref_slice %arg3[%dma_start3A_386, %dma_start3A_387] : memref<1000000x128xf32, #tpu.memory_space<hbm>> -> memref<1000000x128xf32, #tpu.memory_space<hbm>>
    %dma_start3A_389 = tpu.memref_slice %arg19[%dma_start3A_381] : memref<4x!tpu.dma_semaphore, #tpu.memory_space<semaphore_mem>> -> memref<1x!tpu.dma_semaphore, #tpu.memory_space<semaphore_mem>>
    %dma_start3A_390 = tpu.memref_squeeze %dma_start3A_389 : memref<1x!tpu.dma_semaphore, #tpu.memory_space<semaphore_mem>> -> memref<!tpu.dma_semaphore, #tpu.memory_space<semaphore_mem>>
    tpu.enqueue_indirect_dma source(%dma_start3A_388 : memref<1000000x128xf32, #tpu.memory_space<hbm>>) target(%dma_start3A_385 : memref<128x128xf32, #tpu.memory_space<vmem>>) offsets(%arg9 : memref<128xi32, #tpu.memory_space<vmem>>) semaphore(%dma_start3A_390 : memref<!tpu.dma_semaphore, #tpu.memory_space<semaphore_mem>>) {add = true}
    %dma_wait3A_391 = arith.constant 2 : i32
    %dma_wait3A_392 = arith.constant 2 : i32
    %dma_wait3A_393 = arith.constant 0 : i32
    %dma_wait3A_394 = arith.constant 0 : i32
    %dma_wait3A_395 = tpu.memref_slice %arg15[%dma_wait3A_391, %dma_wait3A_393, %dma_wait3A_394] : memref<4x128x128xf32, #tpu.memory_space<vmem>> -> memref<1x128x128xf32, #tpu.memory_space<vmem>>
    %dma_wait3A_396 = tpu.memref_squeeze %dma_wait3A_395 : memref<1x128x128xf32, #tpu.memory_space<vmem>> -> memref<128x128xf32, #tpu.memory_space<vmem>>
    %dma_wait3A_397 = arith.constant 0 : i32
    %dma_wait3A_398 = arith.constant 0 : i32
    %dma_wait3A_399 = tpu.memref_slice %arg3[%dma_wait3A_397, %dma_wait3A_398] : memref<1000000x128xf32, #tpu.memory_space<hbm>> -> memref<1000000x128xf32, #tpu.memory_space<hbm>>
    %dma_wait3A_400 = tpu.memref_slice %arg19[%dma_wait3A_392] : memref<4x!tpu.dma_semaphore, #tpu.memory_space<semaphore_mem>> -> memref<1x!tpu.dma_semaphore, #tpu.memory_space<semaphore_mem>>
    %dma_wait3A_401 = tpu.memref_squeeze %dma_wait3A_400 : memref<1x!tpu.dma_semaphore, #tpu.memory_space<semaphore_mem>> -> memref<!tpu.dma_semaphore, #tpu.memory_space<semaphore_mem>>
    tpu.wait_indirect_dma semaphore(%dma_wait3A_401 : memref<!tpu.dma_semaphore, #tpu.memory_space<semaphore_mem>>) src(%dma_wait3A_399 : memref<1000000x128xf32, #tpu.memory_space<hbm>>) dst(%dma_wait3A_396 : memref<128x128xf32, #tpu.memory_space<vmem>>)
    %add3A_402 = arith.constant 0 : i32
    %add3A_403 = arith.addi %mul3A_2, %add3A_402 : i32
    %dma_start3A_404 = arith.constant 2 : i32
    %dma_start3A_405 = arith.constant 1 : i32
    %dma_start3A_406 = arith.constant 2 : i32
    %dma_start3A_407 = arith.constant 0 : i32
    %dma_start3A_408 = arith.constant 0 : i32
    %dma_start3A_409 = tpu.memref_slice %arg15[%dma_start3A_404, %dma_start3A_407, %dma_start3A_408] : memref<4x128x128xf32, #tpu.memory_space<vmem>> -> memref<1x128x128xf32, #tpu.memory_space<vmem>>
    %dma_start3A_410 = tpu.memref_squeeze %dma_start3A_409 : memref<1x128x128xf32, #tpu.memory_space<vmem>> -> memref<128x128xf32, #tpu.memory_space<vmem>>
    %dma_start3A_411 = arith.constant 0 : i32
    %dma_start3A_412 = tpu.memref_slice %arg5[%dma_start3A_405, %add3A_403, %dma_start3A_411] : memref<4x8192x128xf32, #tpu.memory_space<hbm>> -> memref<1x128x128xf32, #tpu.memory_space<hbm>>
    %dma_start3A_413 = tpu.memref_squeeze %dma_start3A_412 : memref<1x128x128xf32, #tpu.memory_space<hbm>> -> memref<128x128xf32, #tpu.memory_space<hbm>>
    %dma_start3A_414 = tpu.memref_slice %arg20[%dma_start3A_406] : memref<4x!tpu.dma_semaphore, #tpu.memory_space<semaphore_mem>> -> memref<1x!tpu.dma_semaphore, #tpu.memory_space<semaphore_mem>>
    %dma_start3A_415 = tpu.memref_squeeze %dma_start3A_414 : memref<1x!tpu.dma_semaphore, #tpu.memory_space<semaphore_mem>> -> memref<!tpu.dma_semaphore, #tpu.memory_space<semaphore_mem>>
    %dma_start3A_416 = arith.constant 0 : i32
    %dma_start3A_417 = tpu.memref_slice %arg5[%dma_start3A_405, %add3A_403, %dma_start3A_416] : memref<4x8192x128xf32, #tpu.memory_space<hbm>> -> memref<1x128x128xf32, #tpu.memory_space<hbm>>
    %dma_start3A_418 = tpu.memref_squeeze %dma_start3A_417 : memref<1x128x128xf32, #tpu.memory_space<hbm>> -> memref<128x128xf32, #tpu.memory_space<hbm>>
    %dma_start3A_419 = arith.constant 0 : i32
    %dma_start3A_420 = arith.constant 0 : i32
    %dma_start3A_421 = tpu.memref_slice %arg15[%dma_start3A_404, %dma_start3A_419, %dma_start3A_420] : memref<4x128x128xf32, #tpu.memory_space<vmem>> -> memref<1x128x128xf32, #tpu.memory_space<vmem>>
    %dma_start3A_422 = tpu.memref_squeeze %dma_start3A_421 : memref<1x128x128xf32, #tpu.memory_space<vmem>> -> memref<128x128xf32, #tpu.memory_space<vmem>>
    tpu.enqueue_dma source(%dma_start3A_422 : memref<128x128xf32, #tpu.memory_space<vmem>>) target(%dma_start3A_418 : memref<128x128xf32, #tpu.memory_space<hbm>>) target_semaphore(%dma_start3A_415 : memref<!tpu.dma_semaphore, #tpu.memory_space<semaphore_mem>>)
    %add3A_423 = arith.constant 0 : i32
    %add3A_424 = arith.addi %mul3A_2, %add3A_423 : i32
    %dma_wait3A_425 = arith.constant 0 : i32
    %dma_wait3A_426 = arith.constant 0 : i32
    %dma_wait3A_427 = arith.constant 0 : i32
    %dma_wait3A_428 = arith.constant 0 : i32
    %dma_wait3A_429 = arith.constant 0 : i32
    %dma_wait3A_430 = tpu.memref_slice %arg15[%dma_wait3A_425, %dma_wait3A_428, %dma_wait3A_429] : memref<4x128x128xf32, #tpu.memory_space<vmem>> -> memref<1x128x128xf32, #tpu.memory_space<vmem>>
    %dma_wait3A_431 = tpu.memref_squeeze %dma_wait3A_430 : memref<1x128x128xf32, #tpu.memory_space<vmem>> -> memref<128x128xf32, #tpu.memory_space<vmem>>
    %dma_wait3A_432 = arith.constant 0 : i32
    %dma_wait3A_433 = tpu.memref_slice %arg5[%dma_wait3A_426, %add3A_424, %dma_wait3A_432] : memref<4x8192x128xf32, #tpu.memory_space<hbm>> -> memref<1x128x128xf32, #tpu.memory_space<hbm>>
    %dma_wait3A_434 = tpu.memref_squeeze %dma_wait3A_433 : memref<1x128x128xf32, #tpu.memory_space<hbm>> -> memref<128x128xf32, #tpu.memory_space<hbm>>
    %dma_wait3A_435 = tpu.memref_slice %arg20[%dma_wait3A_427] : memref<4x!tpu.dma_semaphore, #tpu.memory_space<semaphore_mem>> -> memref<1x!tpu.dma_semaphore, #tpu.memory_space<semaphore_mem>>
    %dma_wait3A_436 = tpu.memref_squeeze %dma_wait3A_435 : memref<1x!tpu.dma_semaphore, #tpu.memory_space<semaphore_mem>> -> memref<!tpu.dma_semaphore, #tpu.memory_space<semaphore_mem>>
    %dma_wait3A_437 = arith.constant 0 : i32
    %dma_wait3A_438 = tpu.memref_slice %arg5[%dma_wait3A_426, %add3A_424, %dma_wait3A_437] : memref<4x8192x128xf32, #tpu.memory_space<hbm>> -> memref<1x128x128xf32, #tpu.memory_space<hbm>>
    %dma_wait3A_439 = tpu.memref_squeeze %dma_wait3A_438 : memref<1x128x128xf32, #tpu.memory_space<hbm>> -> memref<128x128xf32, #tpu.memory_space<hbm>>
    %dma_wait3A_440 = arith.constant 0 : i32
    %dma_wait3A_441 = arith.constant 0 : i32
    %dma_wait3A_442 = tpu.memref_slice %arg15[%dma_wait3A_425, %dma_wait3A_440, %dma_wait3A_441] : memref<4x128x128xf32, #tpu.memory_space<vmem>> -> memref<1x128x128xf32, #tpu.memory_space<vmem>>
    %dma_wait3A_443 = tpu.memref_squeeze %dma_wait3A_442 : memref<1x128x128xf32, #tpu.memory_space<vmem>> -> memref<128x128xf32, #tpu.memory_space<vmem>>
    tpu.wait_dma2 semaphore(%dma_wait3A_436 : memref<!tpu.dma_semaphore, #tpu.memory_space<semaphore_mem>>) src(%dma_wait3A_443 : memref<128x128xf32, #tpu.memory_space<vmem>>) dst(%dma_wait3A_439 : memref<128x128xf32, #tpu.memory_space<hbm>>)
    %mul3A_444 = arith.constant 256 : i32
    %mul3A_445 = arith.muli %arg1, %mul3A_444 : i32
    %add3A_446 = arith.constant 0 : i32
    %add3A_447 = arith.addi %mul3A_445, %add3A_446 : i32
    %dma_start3A_448 = arith.constant 0 : i32
    %dma_start3A_449 = arith.constant 0 : i32
    %dma_start3A_450 = arith.constant 0 : i32
    %dma_start3A_451 = arith.constant 0 : i32
    %dma_start3A_452 = tpu.memref_slice %arg15[%dma_start3A_448, %dma_start3A_450, %dma_start3A_451] : memref<4x128x128xf32, #tpu.memory_space<vmem>> -> memref<1x128x128xf32, #tpu.memory_space<vmem>>
    %dma_start3A_453 = tpu.memref_squeeze %dma_start3A_452 : memref<1x128x128xf32, #tpu.memory_space<vmem>> -> memref<128x128xf32, #tpu.memory_space<vmem>>
    %dma_start3A_454 = arith.constant 0 : i32
    %dma_start3A_455 = tpu.memref_slice %arg14[%add3A_447, %dma_start3A_454] : memref<4096x128xf32, #tpu.memory_space<vmem_shared>> -> memref<128x128xf32, #tpu.memory_space<vmem_shared>>
    %dma_start3A_456 = tpu.memref_slice %arg18[%dma_start3A_449] : memref<4x!tpu.dma_semaphore, #tpu.memory_space<semaphore_mem>> -> memref<1x!tpu.dma_semaphore, #tpu.memory_space<semaphore_mem>>
    %dma_start3A_457 = tpu.memref_squeeze %dma_start3A_456 : memref<1x!tpu.dma_semaphore, #tpu.memory_space<semaphore_mem>> -> memref<!tpu.dma_semaphore, #tpu.memory_space<semaphore_mem>>
    %dma_start3A_458 = arith.constant 0 : i32
    %dma_start3A_459 = arith.constant 0 : i32
    %dma_start3A_460 = tpu.memref_slice %arg15[%dma_start3A_448, %dma_start3A_458, %dma_start3A_459] : memref<4x128x128xf32, #tpu.memory_space<vmem>> -> memref<1x128x128xf32, #tpu.memory_space<vmem>>
    %dma_start3A_461 = tpu.memref_squeeze %dma_start3A_460 : memref<1x128x128xf32, #tpu.memory_space<vmem>> -> memref<128x128xf32, #tpu.memory_space<vmem>>
    %dma_start3A_462 = arith.constant 0 : i32
    %dma_start3A_463 = tpu.memref_slice %arg14[%add3A_447, %dma_start3A_462] : memref<4096x128xf32, #tpu.memory_space<vmem_shared>> -> memref<128x128xf32, #tpu.memory_space<vmem_shared>>
    tpu.enqueue_dma source(%dma_start3A_463 : memref<128x128xf32, #tpu.memory_space<vmem_shared>>) target(%dma_start3A_461 : memref<128x128xf32, #tpu.memory_space<vmem>>) target_semaphore(%dma_start3A_457 : memref<!tpu.dma_semaphore, #tpu.memory_space<semaphore_mem>>)
    %mul3A_464 = arith.constant 256 : i32
    %mul3A_465 = arith.muli %arg1, %mul3A_464 : i32
    %add3A_466 = arith.constant 0 : i32
    %add3A_467 = arith.addi %mul3A_465, %add3A_466 : i32
    %dma_wait3A_468 = arith.constant 0 : i32
    %dma_wait3A_469 = arith.constant 0 : i32
    %dma_wait3A_470 = arith.constant 0 : i32
    %dma_wait3A_471 = arith.constant 0 : i32
    %dma_wait3A_472 = tpu.memref_slice %arg15[%dma_wait3A_468, %dma_wait3A_470, %dma_wait3A_471] : memref<4x128x128xf32, #tpu.memory_space<vmem>> -> memref<1x128x128xf32, #tpu.memory_space<vmem>>
    %dma_wait3A_473 = tpu.memref_squeeze %dma_wait3A_472 : memref<1x128x128xf32, #tpu.memory_space<vmem>> -> memref<128x128xf32, #tpu.memory_space<vmem>>
    %dma_wait3A_474 = arith.constant 0 : i32
    %dma_wait3A_475 = tpu.memref_slice %arg14[%add3A_467, %dma_wait3A_474] : memref<4096x128xf32, #tpu.memory_space<vmem_shared>> -> memref<128x128xf32, #tpu.memory_space<vmem_shared>>
    %dma_wait3A_476 = tpu.memref_slice %arg18[%dma_wait3A_469] : memref<4x!tpu.dma_semaphore, #tpu.memory_space<semaphore_mem>> -> memref<1x!tpu.dma_semaphore, #tpu.memory_space<semaphore_mem>>
    %dma_wait3A_477 = tpu.memref_squeeze %dma_wait3A_476 : memref<1x!tpu.dma_semaphore, #tpu.memory_space<semaphore_mem>> -> memref<!tpu.dma_semaphore, #tpu.memory_space<semaphore_mem>>
    %dma_wait3A_478 = arith.constant 0 : i32
    %dma_wait3A_479 = arith.constant 0 : i32
    %dma_wait3A_480 = tpu.memref_slice %arg15[%dma_wait3A_468, %dma_wait3A_478, %dma_wait3A_479] : memref<4x128x128xf32, #tpu.memory_space<vmem>> -> memref<1x128x128xf32, #tpu.memory_space<vmem>>
    %dma_wait3A_481 = tpu.memref_squeeze %dma_wait3A_480 : memref<1x128x128xf32, #tpu.memory_space<vmem>> -> memref<128x128xf32, #tpu.memory_space<vmem>>
    %dma_wait3A_482 = arith.constant 0 : i32
    %dma_wait3A_483 = tpu.memref_slice %arg14[%add3A_467, %dma_wait3A_482] : memref<4096x128xf32, #tpu.memory_space<vmem_shared>> -> memref<128x128xf32, #tpu.memory_space<vmem_shared>>
    tpu.wait_dma2 semaphore(%dma_wait3A_477 : memref<!tpu.dma_semaphore, #tpu.memory_space<semaphore_mem>>) src(%dma_wait3A_483 : memref<128x128xf32, #tpu.memory_space<vmem_shared>>) dst(%dma_wait3A_481 : memref<128x128xf32, #tpu.memory_space<vmem>>)
    %dma_start3A_484 = arith.constant 0 : i32
    %dma_start3A_485 = arith.constant 0 : i32
    %dma_start3A_486 = arith.constant 0 : i32
    %dma_start3A_487 = arith.constant 0 : i32
    %dma_start3A_488 = tpu.memref_slice %arg15[%dma_start3A_484, %dma_start3A_486, %dma_start3A_487] : memref<4x128x128xf32, #tpu.memory_space<vmem>> -> memref<1x128x128xf32, #tpu.memory_space<vmem>>
    %dma_start3A_489 = tpu.memref_squeeze %dma_start3A_488 : memref<1x128x128xf32, #tpu.memory_space<vmem>> -> memref<128x128xf32, #tpu.memory_space<vmem>>
    %dma_start3A_490 = arith.constant 0 : i32
    %dma_start3A_491 = arith.constant 0 : i32
    %dma_start3A_492 = tpu.memref_slice %arg3[%dma_start3A_490, %dma_start3A_491] : memref<1000000x128xf32, #tpu.memory_space<hbm>> -> memref<1000000x128xf32, #tpu.memory_space<hbm>>
    %dma_start3A_493 = tpu.memref_slice %arg19[%dma_start3A_485] : memref<4x!tpu.dma_semaphore, #tpu.memory_space<semaphore_mem>> -> memref<1x!tpu.dma_semaphore, #tpu.memory_space<semaphore_mem>>
    %dma_start3A_494 = tpu.memref_squeeze %dma_start3A_493 : memref<1x!tpu.dma_semaphore, #tpu.memory_space<semaphore_mem>> -> memref<!tpu.dma_semaphore, #tpu.memory_space<semaphore_mem>>
    tpu.enqueue_indirect_dma source(%dma_start3A_492 : memref<1000000x128xf32, #tpu.memory_space<hbm>>) target(%dma_start3A_489 : memref<128x128xf32, #tpu.memory_space<vmem>>) offsets(%arg10 : memref<128xi32, #tpu.memory_space<vmem>>) semaphore(%dma_start3A_494 : memref<!tpu.dma_semaphore, #tpu.memory_space<semaphore_mem>>) {add = true}
    %dma_wait3A_495 = arith.constant 3 : i32
    %dma_wait3A_496 = arith.constant 3 : i32
    %dma_wait3A_497 = arith.constant 0 : i32
    %dma_wait3A_498 = arith.constant 0 : i32
    %dma_wait3A_499 = tpu.memref_slice %arg15[%dma_wait3A_495, %dma_wait3A_497, %dma_wait3A_498] : memref<4x128x128xf32, #tpu.memory_space<vmem>> -> memref<1x128x128xf32, #tpu.memory_space<vmem>>
    %dma_wait3A_500 = tpu.memref_squeeze %dma_wait3A_499 : memref<1x128x128xf32, #tpu.memory_space<vmem>> -> memref<128x128xf32, #tpu.memory_space<vmem>>
    %dma_wait3A_501 = arith.constant 0 : i32
    %dma_wait3A_502 = arith.constant 0 : i32
    %dma_wait3A_503 = tpu.memref_slice %arg3[%dma_wait3A_501, %dma_wait3A_502] : memref<1000000x128xf32, #tpu.memory_space<hbm>> -> memref<1000000x128xf32, #tpu.memory_space<hbm>>
    %dma_wait3A_504 = tpu.memref_slice %arg19[%dma_wait3A_496] : memref<4x!tpu.dma_semaphore, #tpu.memory_space<semaphore_mem>> -> memref<1x!tpu.dma_semaphore, #tpu.memory_space<semaphore_mem>>
    %dma_wait3A_505 = tpu.memref_squeeze %dma_wait3A_504 : memref<1x!tpu.dma_semaphore, #tpu.memory_space<semaphore_mem>> -> memref<!tpu.dma_semaphore, #tpu.memory_space<semaphore_mem>>
    tpu.wait_indirect_dma semaphore(%dma_wait3A_505 : memref<!tpu.dma_semaphore, #tpu.memory_space<semaphore_mem>>) src(%dma_wait3A_503 : memref<1000000x128xf32, #tpu.memory_space<hbm>>) dst(%dma_wait3A_500 : memref<128x128xf32, #tpu.memory_space<vmem>>)
    %add3A_506 = arith.constant 128 : i32
    %add3A_507 = arith.addi %mul3A_2, %add3A_506 : i32
    %dma_start3A_508 = arith.constant 3 : i32
    %dma_start3A_509 = arith.constant 1 : i32
    %dma_start3A_510 = arith.constant 3 : i32
    %dma_start3A_511 = arith.constant 0 : i32
    %dma_start3A_512 = arith.constant 0 : i32
    %dma_start3A_513 = tpu.memref_slice %arg15[%dma_start3A_508, %dma_start3A_511, %dma_start3A_512] : memref<4x128x128xf32, #tpu.memory_space<vmem>> -> memref<1x128x128xf32, #tpu.memory_space<vmem>>
    %dma_start3A_514 = tpu.memref_squeeze %dma_start3A_513 : memref<1x128x128xf32, #tpu.memory_space<vmem>> -> memref<128x128xf32, #tpu.memory_space<vmem>>
    %dma_start3A_515 = arith.constant 0 : i32
    %dma_start3A_516 = tpu.memref_slice %arg5[%dma_start3A_509, %add3A_507, %dma_start3A_515] : memref<4x8192x128xf32, #tpu.memory_space<hbm>> -> memref<1x128x128xf32, #tpu.memory_space<hbm>>
    %dma_start3A_517 = tpu.memref_squeeze %dma_start3A_516 : memref<1x128x128xf32, #tpu.memory_space<hbm>> -> memref<128x128xf32, #tpu.memory_space<hbm>>
    %dma_start3A_518 = tpu.memref_slice %arg20[%dma_start3A_510] : memref<4x!tpu.dma_semaphore, #tpu.memory_space<semaphore_mem>> -> memref<1x!tpu.dma_semaphore, #tpu.memory_space<semaphore_mem>>
    %dma_start3A_519 = tpu.memref_squeeze %dma_start3A_518 : memref<1x!tpu.dma_semaphore, #tpu.memory_space<semaphore_mem>> -> memref<!tpu.dma_semaphore, #tpu.memory_space<semaphore_mem>>
    %dma_start3A_520 = arith.constant 0 : i32
    %dma_start3A_521 = tpu.memref_slice %arg5[%dma_start3A_509, %add3A_507, %dma_start3A_520] : memref<4x8192x128xf32, #tpu.memory_space<hbm>> -> memref<1x128x128xf32, #tpu.memory_space<hbm>>
    %dma_start3A_522 = tpu.memref_squeeze %dma_start3A_521 : memref<1x128x128xf32, #tpu.memory_space<hbm>> -> memref<128x128xf32, #tpu.memory_space<hbm>>
    %dma_start3A_523 = arith.constant 0 : i32
    %dma_start3A_524 = arith.constant 0 : i32
    %dma_start3A_525 = tpu.memref_slice %arg15[%dma_start3A_508, %dma_start3A_523, %dma_start3A_524] : memref<4x128x128xf32, #tpu.memory_space<vmem>> -> memref<1x128x128xf32, #tpu.memory_space<vmem>>
    %dma_start3A_526 = tpu.memref_squeeze %dma_start3A_525 : memref<1x128x128xf32, #tpu.memory_space<vmem>> -> memref<128x128xf32, #tpu.memory_space<vmem>>
    tpu.enqueue_dma source(%dma_start3A_526 : memref<128x128xf32, #tpu.memory_space<vmem>>) target(%dma_start3A_522 : memref<128x128xf32, #tpu.memory_space<hbm>>) target_semaphore(%dma_start3A_519 : memref<!tpu.dma_semaphore, #tpu.memory_space<semaphore_mem>>)
    %add3A_527 = arith.constant 128 : i32
    %add3A_528 = arith.addi %mul3A_2, %add3A_527 : i32
    %dma_wait3A_529 = arith.constant 1 : i32
    %dma_wait3A_530 = arith.constant 0 : i32
    %dma_wait3A_531 = arith.constant 1 : i32
    %dma_wait3A_532 = arith.constant 0 : i32
    %dma_wait3A_533 = arith.constant 0 : i32
    %dma_wait3A_534 = tpu.memref_slice %arg15[%dma_wait3A_529, %dma_wait3A_532, %dma_wait3A_533] : memref<4x128x128xf32, #tpu.memory_space<vmem>> -> memref<1x128x128xf32, #tpu.memory_space<vmem>>
    %dma_wait3A_535 = tpu.memref_squeeze %dma_wait3A_534 : memref<1x128x128xf32, #tpu.memory_space<vmem>> -> memref<128x128xf32, #tpu.memory_space<vmem>>
    %dma_wait3A_536 = arith.constant 0 : i32
    %dma_wait3A_537 = tpu.memref_slice %arg5[%dma_wait3A_530, %add3A_528, %dma_wait3A_536] : memref<4x8192x128xf32, #tpu.memory_space<hbm>> -> memref<1x128x128xf32, #tpu.memory_space<hbm>>
    %dma_wait3A_538 = tpu.memref_squeeze %dma_wait3A_537 : memref<1x128x128xf32, #tpu.memory_space<hbm>> -> memref<128x128xf32, #tpu.memory_space<hbm>>
    %dma_wait3A_539 = tpu.memref_slice %arg20[%dma_wait3A_531] : memref<4x!tpu.dma_semaphore, #tpu.memory_space<semaphore_mem>> -> memref<1x!tpu.dma_semaphore, #tpu.memory_space<semaphore_mem>>
    %dma_wait3A_540 = tpu.memref_squeeze %dma_wait3A_539 : memref<1x!tpu.dma_semaphore, #tpu.memory_space<semaphore_mem>> -> memref<!tpu.dma_semaphore, #tpu.memory_space<semaphore_mem>>
    %dma_wait3A_541 = arith.constant 0 : i32
    %dma_wait3A_542 = tpu.memref_slice %arg5[%dma_wait3A_530, %add3A_528, %dma_wait3A_541] : memref<4x8192x128xf32, #tpu.memory_space<hbm>> -> memref<1x128x128xf32, #tpu.memory_space<hbm>>
    %dma_wait3A_543 = tpu.memref_squeeze %dma_wait3A_542 : memref<1x128x128xf32, #tpu.memory_space<hbm>> -> memref<128x128xf32, #tpu.memory_space<hbm>>
    %dma_wait3A_544 = arith.constant 0 : i32
    %dma_wait3A_545 = arith.constant 0 : i32
    %dma_wait3A_546 = tpu.memref_slice %arg15[%dma_wait3A_529, %dma_wait3A_544, %dma_wait3A_545] : memref<4x128x128xf32, #tpu.memory_space<vmem>> -> memref<1x128x128xf32, #tpu.memory_space<vmem>>
    %dma_wait3A_547 = tpu.memref_squeeze %dma_wait3A_546 : memref<1x128x128xf32, #tpu.memory_space<vmem>> -> memref<128x128xf32, #tpu.memory_space<vmem>>
    tpu.wait_dma2 semaphore(%dma_wait3A_540 : memref<!tpu.dma_semaphore, #tpu.memory_space<semaphore_mem>>) src(%dma_wait3A_547 : memref<128x128xf32, #tpu.memory_space<vmem>>) dst(%dma_wait3A_543 : memref<128x128xf32, #tpu.memory_space<hbm>>)
    %mul3A_548 = arith.constant 256 : i32
    %mul3A_549 = arith.muli %arg1, %mul3A_548 : i32
    %add3A_550 = arith.constant 128 : i32
    %add3A_551 = arith.addi %mul3A_549, %add3A_550 : i32
    %dma_start3A_552 = arith.constant 1 : i32
    %dma_start3A_553 = arith.constant 1 : i32
    %dma_start3A_554 = arith.constant 0 : i32
    %dma_start3A_555 = arith.constant 0 : i32
    %dma_start3A_556 = tpu.memref_slice %arg15[%dma_start3A_552, %dma_start3A_554, %dma_start3A_555] : memref<4x128x128xf32, #tpu.memory_space<vmem>> -> memref<1x128x128xf32, #tpu.memory_space<vmem>>
    %dma_start3A_557 = tpu.memref_squeeze %dma_start3A_556 : memref<1x128x128xf32, #tpu.memory_space<vmem>> -> memref<128x128xf32, #tpu.memory_space<vmem>>
    %dma_start3A_558 = arith.constant 0 : i32
    %dma_start3A_559 = tpu.memref_slice %arg14[%add3A_551, %dma_start3A_558] : memref<4096x128xf32, #tpu.memory_space<vmem_shared>> -> memref<128x128xf32, #tpu.memory_space<vmem_shared>>
    %dma_start3A_560 = tpu.memref_slice %arg18[%dma_start3A_553] : memref<4x!tpu.dma_semaphore, #tpu.memory_space<semaphore_mem>> -> memref<1x!tpu.dma_semaphore, #tpu.memory_space<semaphore_mem>>
    %dma_start3A_561 = tpu.memref_squeeze %dma_start3A_560 : memref<1x!tpu.dma_semaphore, #tpu.memory_space<semaphore_mem>> -> memref<!tpu.dma_semaphore, #tpu.memory_space<semaphore_mem>>
    %dma_start3A_562 = arith.constant 0 : i32
    %dma_start3A_563 = arith.constant 0 : i32
    %dma_start3A_564 = tpu.memref_slice %arg15[%dma_start3A_552, %dma_start3A_562, %dma_start3A_563] : memref<4x128x128xf32, #tpu.memory_space<vmem>> -> memref<1x128x128xf32, #tpu.memory_space<vmem>>
    %dma_start3A_565 = tpu.memref_squeeze %dma_start3A_564 : memref<1x128x128xf32, #tpu.memory_space<vmem>> -> memref<128x128xf32, #tpu.memory_space<vmem>>
    %dma_start3A_566 = arith.constant 0 : i32
    %dma_start3A_567 = tpu.memref_slice %arg14[%add3A_551, %dma_start3A_566] : memref<4096x128xf32, #tpu.memory_space<vmem_shared>> -> memref<128x128xf32, #tpu.memory_space<vmem_shared>>
    tpu.enqueue_dma source(%dma_start3A_567 : memref<128x128xf32, #tpu.memory_space<vmem_shared>>) target(%dma_start3A_565 : memref<128x128xf32, #tpu.memory_space<vmem>>) target_semaphore(%dma_start3A_561 : memref<!tpu.dma_semaphore, #tpu.memory_space<semaphore_mem>>)
    %mul3A_568 = arith.constant 256 : i32
    %mul3A_569 = arith.muli %arg1, %mul3A_568 : i32
    %add3A_570 = arith.constant 128 : i32
    %add3A_571 = arith.addi %mul3A_569, %add3A_570 : i32
    %dma_wait3A_572 = arith.constant 1 : i32
    %dma_wait3A_573 = arith.constant 1 : i32
    %dma_wait3A_574 = arith.constant 0 : i32
    %dma_wait3A_575 = arith.constant 0 : i32
    %dma_wait3A_576 = tpu.memref_slice %arg15[%dma_wait3A_572, %dma_wait3A_574, %dma_wait3A_575] : memref<4x128x128xf32, #tpu.memory_space<vmem>> -> memref<1x128x128xf32, #tpu.memory_space<vmem>>
    %dma_wait3A_577 = tpu.memref_squeeze %dma_wait3A_576 : memref<1x128x128xf32, #tpu.memory_space<vmem>> -> memref<128x128xf32, #tpu.memory_space<vmem>>
    %dma_wait3A_578 = arith.constant 0 : i32
    %dma_wait3A_579 = tpu.memref_slice %arg14[%add3A_571, %dma_wait3A_578] : memref<4096x128xf32, #tpu.memory_space<vmem_shared>> -> memref<128x128xf32, #tpu.memory_space<vmem_shared>>
    %dma_wait3A_580 = tpu.memref_slice %arg18[%dma_wait3A_573] : memref<4x!tpu.dma_semaphore, #tpu.memory_space<semaphore_mem>> -> memref<1x!tpu.dma_semaphore, #tpu.memory_space<semaphore_mem>>
    %dma_wait3A_581 = tpu.memref_squeeze %dma_wait3A_580 : memref<1x!tpu.dma_semaphore, #tpu.memory_space<semaphore_mem>> -> memref<!tpu.dma_semaphore, #tpu.memory_space<semaphore_mem>>
    %dma_wait3A_582 = arith.constant 0 : i32
    %dma_wait3A_583 = arith.constant 0 : i32
    %dma_wait3A_584 = tpu.memref_slice %arg15[%dma_wait3A_572, %dma_wait3A_582, %dma_wait3A_583] : memref<4x128x128xf32, #tpu.memory_space<vmem>> -> memref<1x128x128xf32, #tpu.memory_space<vmem>>
    %dma_wait3A_585 = tpu.memref_squeeze %dma_wait3A_584 : memref<1x128x128xf32, #tpu.memory_space<vmem>> -> memref<128x128xf32, #tpu.memory_space<vmem>>
    %dma_wait3A_586 = arith.constant 0 : i32
    %dma_wait3A_587 = tpu.memref_slice %arg14[%add3A_571, %dma_wait3A_586] : memref<4096x128xf32, #tpu.memory_space<vmem_shared>> -> memref<128x128xf32, #tpu.memory_space<vmem_shared>>
    tpu.wait_dma2 semaphore(%dma_wait3A_581 : memref<!tpu.dma_semaphore, #tpu.memory_space<semaphore_mem>>) src(%dma_wait3A_587 : memref<128x128xf32, #tpu.memory_space<vmem_shared>>) dst(%dma_wait3A_585 : memref<128x128xf32, #tpu.memory_space<vmem>>)
    %dma_start3A_588 = arith.constant 1 : i32
    %dma_start3A_589 = arith.constant 1 : i32
    %dma_start3A_590 = arith.constant 0 : i32
    %dma_start3A_591 = arith.constant 0 : i32
    %dma_start3A_592 = tpu.memref_slice %arg15[%dma_start3A_588, %dma_start3A_590, %dma_start3A_591] : memref<4x128x128xf32, #tpu.memory_space<vmem>> -> memref<1x128x128xf32, #tpu.memory_space<vmem>>
    %dma_start3A_593 = tpu.memref_squeeze %dma_start3A_592 : memref<1x128x128xf32, #tpu.memory_space<vmem>> -> memref<128x128xf32, #tpu.memory_space<vmem>>
    %dma_start3A_594 = arith.constant 0 : i32
    %dma_start3A_595 = arith.constant 0 : i32
    %dma_start3A_596 = tpu.memref_slice %arg3[%dma_start3A_594, %dma_start3A_595] : memref<1000000x128xf32, #tpu.memory_space<hbm>> -> memref<1000000x128xf32, #tpu.memory_space<hbm>>
    %dma_start3A_597 = tpu.memref_slice %arg19[%dma_start3A_589] : memref<4x!tpu.dma_semaphore, #tpu.memory_space<semaphore_mem>> -> memref<1x!tpu.dma_semaphore, #tpu.memory_space<semaphore_mem>>
    %dma_start3A_598 = tpu.memref_squeeze %dma_start3A_597 : memref<1x!tpu.dma_semaphore, #tpu.memory_space<semaphore_mem>> -> memref<!tpu.dma_semaphore, #tpu.memory_space<semaphore_mem>>
    tpu.enqueue_indirect_dma source(%dma_start3A_596 : memref<1000000x128xf32, #tpu.memory_space<hbm>>) target(%dma_start3A_593 : memref<128x128xf32, #tpu.memory_space<vmem>>) offsets(%arg11 : memref<128xi32, #tpu.memory_space<vmem>>) semaphore(%dma_start3A_598 : memref<!tpu.dma_semaphore, #tpu.memory_space<semaphore_mem>>) {add = true}
    %dma_wait3A_599 = arith.constant 0 : i32
    %dma_wait3A_600 = arith.constant 0 : i32
    %dma_wait3A_601 = arith.constant 0 : i32
    %dma_wait3A_602 = arith.constant 0 : i32
    %dma_wait3A_603 = tpu.memref_slice %arg15[%dma_wait3A_599, %dma_wait3A_601, %dma_wait3A_602] : memref<4x128x128xf32, #tpu.memory_space<vmem>> -> memref<1x128x128xf32, #tpu.memory_space<vmem>>
    %dma_wait3A_604 = tpu.memref_squeeze %dma_wait3A_603 : memref<1x128x128xf32, #tpu.memory_space<vmem>> -> memref<128x128xf32, #tpu.memory_space<vmem>>
    %dma_wait3A_605 = arith.constant 0 : i32
    %dma_wait3A_606 = arith.constant 0 : i32
    %dma_wait3A_607 = tpu.memref_slice %arg3[%dma_wait3A_605, %dma_wait3A_606] : memref<1000000x128xf32, #tpu.memory_space<hbm>> -> memref<1000000x128xf32, #tpu.memory_space<hbm>>
    %dma_wait3A_608 = tpu.memref_slice %arg19[%dma_wait3A_600] : memref<4x!tpu.dma_semaphore, #tpu.memory_space<semaphore_mem>> -> memref<1x!tpu.dma_semaphore, #tpu.memory_space<semaphore_mem>>
    %dma_wait3A_609 = tpu.memref_squeeze %dma_wait3A_608 : memref<1x!tpu.dma_semaphore, #tpu.memory_space<semaphore_mem>> -> memref<!tpu.dma_semaphore, #tpu.memory_space<semaphore_mem>>
    tpu.wait_indirect_dma semaphore(%dma_wait3A_609 : memref<!tpu.dma_semaphore, #tpu.memory_space<semaphore_mem>>) src(%dma_wait3A_607 : memref<1000000x128xf32, #tpu.memory_space<hbm>>) dst(%dma_wait3A_604 : memref<128x128xf32, #tpu.memory_space<vmem>>)
    %add3A_610 = arith.constant 0 : i32
    %add3A_611 = arith.addi %mul3A_2, %add3A_610 : i32
    %dma_start3A_612 = arith.constant 0 : i32
    %dma_start3A_613 = arith.constant 2 : i32
    %dma_start3A_614 = arith.constant 0 : i32
    %dma_start3A_615 = arith.constant 0 : i32
    %dma_start3A_616 = arith.constant 0 : i32
    %dma_start3A_617 = tpu.memref_slice %arg15[%dma_start3A_612, %dma_start3A_615, %dma_start3A_616] : memref<4x128x128xf32, #tpu.memory_space<vmem>> -> memref<1x128x128xf32, #tpu.memory_space<vmem>>
    %dma_start3A_618 = tpu.memref_squeeze %dma_start3A_617 : memref<1x128x128xf32, #tpu.memory_space<vmem>> -> memref<128x128xf32, #tpu.memory_space<vmem>>
    %dma_start3A_619 = arith.constant 0 : i32
    %dma_start3A_620 = tpu.memref_slice %arg5[%dma_start3A_613, %add3A_611, %dma_start3A_619] : memref<4x8192x128xf32, #tpu.memory_space<hbm>> -> memref<1x128x128xf32, #tpu.memory_space<hbm>>
    %dma_start3A_621 = tpu.memref_squeeze %dma_start3A_620 : memref<1x128x128xf32, #tpu.memory_space<hbm>> -> memref<128x128xf32, #tpu.memory_space<hbm>>
    %dma_start3A_622 = tpu.memref_slice %arg20[%dma_start3A_614] : memref<4x!tpu.dma_semaphore, #tpu.memory_space<semaphore_mem>> -> memref<1x!tpu.dma_semaphore, #tpu.memory_space<semaphore_mem>>
    %dma_start3A_623 = tpu.memref_squeeze %dma_start3A_622 : memref<1x!tpu.dma_semaphore, #tpu.memory_space<semaphore_mem>> -> memref<!tpu.dma_semaphore, #tpu.memory_space<semaphore_mem>>
    %dma_start3A_624 = arith.constant 0 : i32
    %dma_start3A_625 = tpu.memref_slice %arg5[%dma_start3A_613, %add3A_611, %dma_start3A_624] : memref<4x8192x128xf32, #tpu.memory_space<hbm>> -> memref<1x128x128xf32, #tpu.memory_space<hbm>>
    %dma_start3A_626 = tpu.memref_squeeze %dma_start3A_625 : memref<1x128x128xf32, #tpu.memory_space<hbm>> -> memref<128x128xf32, #tpu.memory_space<hbm>>
    %dma_start3A_627 = arith.constant 0 : i32
    %dma_start3A_628 = arith.constant 0 : i32
    %dma_start3A_629 = tpu.memref_slice %arg15[%dma_start3A_612, %dma_start3A_627, %dma_start3A_628] : memref<4x128x128xf32, #tpu.memory_space<vmem>> -> memref<1x128x128xf32, #tpu.memory_space<vmem>>
    %dma_start3A_630 = tpu.memref_squeeze %dma_start3A_629 : memref<1x128x128xf32, #tpu.memory_space<vmem>> -> memref<128x128xf32, #tpu.memory_space<vmem>>
    tpu.enqueue_dma source(%dma_start3A_630 : memref<128x128xf32, #tpu.memory_space<vmem>>) target(%dma_start3A_626 : memref<128x128xf32, #tpu.memory_space<hbm>>) target_semaphore(%dma_start3A_623 : memref<!tpu.dma_semaphore, #tpu.memory_space<semaphore_mem>>)
    %add3A_631 = arith.constant 0 : i32
    %add3A_632 = arith.addi %mul3A_2, %add3A_631 : i32
    %dma_wait3A_633 = arith.constant 2 : i32
    %dma_wait3A_634 = arith.constant 1 : i32
    %dma_wait3A_635 = arith.constant 2 : i32
    %dma_wait3A_636 = arith.constant 0 : i32
    %dma_wait3A_637 = arith.constant 0 : i32
    %dma_wait3A_638 = tpu.memref_slice %arg15[%dma_wait3A_633, %dma_wait3A_636, %dma_wait3A_637] : memref<4x128x128xf32, #tpu.memory_space<vmem>> -> memref<1x128x128xf32, #tpu.memory_space<vmem>>
    %dma_wait3A_639 = tpu.memref_squeeze %dma_wait3A_638 : memref<1x128x128xf32, #tpu.memory_space<vmem>> -> memref<128x128xf32, #tpu.memory_space<vmem>>
    %dma_wait3A_640 = arith.constant 0 : i32
    %dma_wait3A_641 = tpu.memref_slice %arg5[%dma_wait3A_634, %add3A_632, %dma_wait3A_640] : memref<4x8192x128xf32, #tpu.memory_space<hbm>> -> memref<1x128x128xf32, #tpu.memory_space<hbm>>
    %dma_wait3A_642 = tpu.memref_squeeze %dma_wait3A_641 : memref<1x128x128xf32, #tpu.memory_space<hbm>> -> memref<128x128xf32, #tpu.memory_space<hbm>>
    %dma_wait3A_643 = tpu.memref_slice %arg20[%dma_wait3A_635] : memref<4x!tpu.dma_semaphore, #tpu.memory_space<semaphore_mem>> -> memref<1x!tpu.dma_semaphore, #tpu.memory_space<semaphore_mem>>
    %dma_wait3A_644 = tpu.memref_squeeze %dma_wait3A_643 : memref<1x!tpu.dma_semaphore, #tpu.memory_space<semaphore_mem>> -> memref<!tpu.dma_semaphore, #tpu.memory_space<semaphore_mem>>
    %dma_wait3A_645 = arith.constant 0 : i32
    %dma_wait3A_646 = tpu.memref_slice %arg5[%dma_wait3A_634, %add3A_632, %dma_wait3A_645] : memref<4x8192x128xf32, #tpu.memory_space<hbm>> -> memref<1x128x128xf32, #tpu.memory_space<hbm>>
    %dma_wait3A_647 = tpu.memref_squeeze %dma_wait3A_646 : memref<1x128x128xf32, #tpu.memory_space<hbm>> -> memref<128x128xf32, #tpu.memory_space<hbm>>
    %dma_wait3A_648 = arith.constant 0 : i32
    %dma_wait3A_649 = arith.constant 0 : i32
    %dma_wait3A_650 = tpu.memref_slice %arg15[%dma_wait3A_633, %dma_wait3A_648, %dma_wait3A_649] : memref<4x128x128xf32, #tpu.memory_space<vmem>> -> memref<1x128x128xf32, #tpu.memory_space<vmem>>
    %dma_wait3A_651 = tpu.memref_squeeze %dma_wait3A_650 : memref<1x128x128xf32, #tpu.memory_space<vmem>> -> memref<128x128xf32, #tpu.memory_space<vmem>>
    tpu.wait_dma2 semaphore(%dma_wait3A_644 : memref<!tpu.dma_semaphore, #tpu.memory_space<semaphore_mem>>) src(%dma_wait3A_651 : memref<128x128xf32, #tpu.memory_space<vmem>>) dst(%dma_wait3A_647 : memref<128x128xf32, #tpu.memory_space<hbm>>)
    %mul3A_652 = arith.constant 256 : i32
    %mul3A_653 = arith.muli %arg1, %mul3A_652 : i32
    %add3A_654 = arith.constant 0 : i32
    %add3A_655 = arith.addi %mul3A_653, %add3A_654 : i32
    %dma_start3A_656 = arith.constant 2 : i32
    %dma_start3A_657 = arith.constant 2 : i32
    %dma_start3A_658 = arith.constant 0 : i32
    %dma_start3A_659 = arith.constant 0 : i32
    %dma_start3A_660 = tpu.memref_slice %arg15[%dma_start3A_656, %dma_start3A_658, %dma_start3A_659] : memref<4x128x128xf32, #tpu.memory_space<vmem>> -> memref<1x128x128xf32, #tpu.memory_space<vmem>>
    %dma_start3A_661 = tpu.memref_squeeze %dma_start3A_660 : memref<1x128x128xf32, #tpu.memory_space<vmem>> -> memref<128x128xf32, #tpu.memory_space<vmem>>
    %dma_start3A_662 = arith.constant 0 : i32
    %dma_start3A_663 = tpu.memref_slice %arg14[%add3A_655, %dma_start3A_662] : memref<4096x128xf32, #tpu.memory_space<vmem_shared>> -> memref<128x128xf32, #tpu.memory_space<vmem_shared>>
    %dma_start3A_664 = tpu.memref_slice %arg18[%dma_start3A_657] : memref<4x!tpu.dma_semaphore, #tpu.memory_space<semaphore_mem>> -> memref<1x!tpu.dma_semaphore, #tpu.memory_space<semaphore_mem>>
    %dma_start3A_665 = tpu.memref_squeeze %dma_start3A_664 : memref<1x!tpu.dma_semaphore, #tpu.memory_space<semaphore_mem>> -> memref<!tpu.dma_semaphore, #tpu.memory_space<semaphore_mem>>
    %dma_start3A_666 = arith.constant 0 : i32
    %dma_start3A_667 = arith.constant 0 : i32
    %dma_start3A_668 = tpu.memref_slice %arg15[%dma_start3A_656, %dma_start3A_666, %dma_start3A_667] : memref<4x128x128xf32, #tpu.memory_space<vmem>> -> memref<1x128x128xf32, #tpu.memory_space<vmem>>
    %dma_start3A_669 = tpu.memref_squeeze %dma_start3A_668 : memref<1x128x128xf32, #tpu.memory_space<vmem>> -> memref<128x128xf32, #tpu.memory_space<vmem>>
    %dma_start3A_670 = arith.constant 0 : i32
    %dma_start3A_671 = tpu.memref_slice %arg14[%add3A_655, %dma_start3A_670] : memref<4096x128xf32, #tpu.memory_space<vmem_shared>> -> memref<128x128xf32, #tpu.memory_space<vmem_shared>>
    tpu.enqueue_dma source(%dma_start3A_671 : memref<128x128xf32, #tpu.memory_space<vmem_shared>>) target(%dma_start3A_669 : memref<128x128xf32, #tpu.memory_space<vmem>>) target_semaphore(%dma_start3A_665 : memref<!tpu.dma_semaphore, #tpu.memory_space<semaphore_mem>>)
    %mul3A_672 = arith.constant 256 : i32
    %mul3A_673 = arith.muli %arg1, %mul3A_672 : i32
    %add3A_674 = arith.constant 0 : i32
    %add3A_675 = arith.addi %mul3A_673, %add3A_674 : i32
    %dma_wait3A_676 = arith.constant 2 : i32
    %dma_wait3A_677 = arith.constant 2 : i32
    %dma_wait3A_678 = arith.constant 0 : i32
    %dma_wait3A_679 = arith.constant 0 : i32
    %dma_wait3A_680 = tpu.memref_slice %arg15[%dma_wait3A_676, %dma_wait3A_678, %dma_wait3A_679] : memref<4x128x128xf32, #tpu.memory_space<vmem>> -> memref<1x128x128xf32, #tpu.memory_space<vmem>>
    %dma_wait3A_681 = tpu.memref_squeeze %dma_wait3A_680 : memref<1x128x128xf32, #tpu.memory_space<vmem>> -> memref<128x128xf32, #tpu.memory_space<vmem>>
    %dma_wait3A_682 = arith.constant 0 : i32
    %dma_wait3A_683 = tpu.memref_slice %arg14[%add3A_675, %dma_wait3A_682] : memref<4096x128xf32, #tpu.memory_space<vmem_shared>> -> memref<128x128xf32, #tpu.memory_space<vmem_shared>>
    %dma_wait3A_684 = tpu.memref_slice %arg18[%dma_wait3A_677] : memref<4x!tpu.dma_semaphore, #tpu.memory_space<semaphore_mem>> -> memref<1x!tpu.dma_semaphore, #tpu.memory_space<semaphore_mem>>
    %dma_wait3A_685 = tpu.memref_squeeze %dma_wait3A_684 : memref<1x!tpu.dma_semaphore, #tpu.memory_space<semaphore_mem>> -> memref<!tpu.dma_semaphore, #tpu.memory_space<semaphore_mem>>
    %dma_wait3A_686 = arith.constant 0 : i32
    %dma_wait3A_687 = arith.constant 0 : i32
    %dma_wait3A_688 = tpu.memref_slice %arg15[%dma_wait3A_676, %dma_wait3A_686, %dma_wait3A_687] : memref<4x128x128xf32, #tpu.memory_space<vmem>> -> memref<1x128x128xf32, #tpu.memory_space<vmem>>
    %dma_wait3A_689 = tpu.memref_squeeze %dma_wait3A_688 : memref<1x128x128xf32, #tpu.memory_space<vmem>> -> memref<128x128xf32, #tpu.memory_space<vmem>>
    %dma_wait3A_690 = arith.constant 0 : i32
    %dma_wait3A_691 = tpu.memref_slice %arg14[%add3A_675, %dma_wait3A_690] : memref<4096x128xf32, #tpu.memory_space<vmem_shared>> -> memref<128x128xf32, #tpu.memory_space<vmem_shared>>
    tpu.wait_dma2 semaphore(%dma_wait3A_685 : memref<!tpu.dma_semaphore, #tpu.memory_space<semaphore_mem>>) src(%dma_wait3A_691 : memref<128x128xf32, #tpu.memory_space<vmem_shared>>) dst(%dma_wait3A_689 : memref<128x128xf32, #tpu.memory_space<vmem>>)
    %dma_start3A_692 = arith.constant 2 : i32
    %dma_start3A_693 = arith.constant 2 : i32
    %dma_start3A_694 = arith.constant 0 : i32
    %dma_start3A_695 = arith.constant 0 : i32
    %dma_start3A_696 = tpu.memref_slice %arg15[%dma_start3A_692, %dma_start3A_694, %dma_start3A_695] : memref<4x128x128xf32, #tpu.memory_space<vmem>> -> memref<1x128x128xf32, #tpu.memory_space<vmem>>
    %dma_start3A_697 = tpu.memref_squeeze %dma_start3A_696 : memref<1x128x128xf32, #tpu.memory_space<vmem>> -> memref<128x128xf32, #tpu.memory_space<vmem>>
    %dma_start3A_698 = arith.constant 0 : i32
    %dma_start3A_699 = arith.constant 0 : i32
    %dma_start3A_700 = tpu.memref_slice %arg3[%dma_start3A_698, %dma_start3A_699] : memref<1000000x128xf32, #tpu.memory_space<hbm>> -> memref<1000000x128xf32, #tpu.memory_space<hbm>>
    %dma_start3A_701 = tpu.memref_slice %arg19[%dma_start3A_693] : memref<4x!tpu.dma_semaphore, #tpu.memory_space<semaphore_mem>> -> memref<1x!tpu.dma_semaphore, #tpu.memory_space<semaphore_mem>>
    %dma_start3A_702 = tpu.memref_squeeze %dma_start3A_701 : memref<1x!tpu.dma_semaphore, #tpu.memory_space<semaphore_mem>> -> memref<!tpu.dma_semaphore, #tpu.memory_space<semaphore_mem>>
    tpu.enqueue_indirect_dma source(%dma_start3A_700 : memref<1000000x128xf32, #tpu.memory_space<hbm>>) target(%dma_start3A_697 : memref<128x128xf32, #tpu.memory_space<vmem>>) offsets(%arg12 : memref<128xi32, #tpu.memory_space<vmem>>) semaphore(%dma_start3A_702 : memref<!tpu.dma_semaphore, #tpu.memory_space<semaphore_mem>>) {add = true}
    %dma_wait3A_703 = arith.constant 1 : i32
    %dma_wait3A_704 = arith.constant 1 : i32
    %dma_wait3A_705 = arith.constant 0 : i32
    %dma_wait3A_706 = arith.constant 0 : i32
    %dma_wait3A_707 = tpu.memref_slice %arg15[%dma_wait3A_703, %dma_wait3A_705, %dma_wait3A_706] : memref<4x128x128xf32, #tpu.memory_space<vmem>> -> memref<1x128x128xf32, #tpu.memory_space<vmem>>
    %dma_wait3A_708 = tpu.memref_squeeze %dma_wait3A_707 : memref<1x128x128xf32, #tpu.memory_space<vmem>> -> memref<128x128xf32, #tpu.memory_space<vmem>>
    %dma_wait3A_709 = arith.constant 0 : i32
    %dma_wait3A_710 = arith.constant 0 : i32
    %dma_wait3A_711 = tpu.memref_slice %arg3[%dma_wait3A_709, %dma_wait3A_710] : memref<1000000x128xf32, #tpu.memory_space<hbm>> -> memref<1000000x128xf32, #tpu.memory_space<hbm>>
    %dma_wait3A_712 = tpu.memref_slice %arg19[%dma_wait3A_704] : memref<4x!tpu.dma_semaphore, #tpu.memory_space<semaphore_mem>> -> memref<1x!tpu.dma_semaphore, #tpu.memory_space<semaphore_mem>>
    %dma_wait3A_713 = tpu.memref_squeeze %dma_wait3A_712 : memref<1x!tpu.dma_semaphore, #tpu.memory_space<semaphore_mem>> -> memref<!tpu.dma_semaphore, #tpu.memory_space<semaphore_mem>>
    tpu.wait_indirect_dma semaphore(%dma_wait3A_713 : memref<!tpu.dma_semaphore, #tpu.memory_space<semaphore_mem>>) src(%dma_wait3A_711 : memref<1000000x128xf32, #tpu.memory_space<hbm>>) dst(%dma_wait3A_708 : memref<128x128xf32, #tpu.memory_space<vmem>>)
    %add3A_714 = arith.constant 128 : i32
    %add3A_715 = arith.addi %mul3A_2, %add3A_714 : i32
    %dma_start3A_716 = arith.constant 1 : i32
    %dma_start3A_717 = arith.constant 2 : i32
    %dma_start3A_718 = arith.constant 1 : i32
    %dma_start3A_719 = arith.constant 0 : i32
    %dma_start3A_720 = arith.constant 0 : i32
    %dma_start3A_721 = tpu.memref_slice %arg15[%dma_start3A_716, %dma_start3A_719, %dma_start3A_720] : memref<4x128x128xf32, #tpu.memory_space<vmem>> -> memref<1x128x128xf32, #tpu.memory_space<vmem>>
    %dma_start3A_722 = tpu.memref_squeeze %dma_start3A_721 : memref<1x128x128xf32, #tpu.memory_space<vmem>> -> memref<128x128xf32, #tpu.memory_space<vmem>>
    %dma_start3A_723 = arith.constant 0 : i32
    %dma_start3A_724 = tpu.memref_slice %arg5[%dma_start3A_717, %add3A_715, %dma_start3A_723] : memref<4x8192x128xf32, #tpu.memory_space<hbm>> -> memref<1x128x128xf32, #tpu.memory_space<hbm>>
    %dma_start3A_725 = tpu.memref_squeeze %dma_start3A_724 : memref<1x128x128xf32, #tpu.memory_space<hbm>> -> memref<128x128xf32, #tpu.memory_space<hbm>>
    %dma_start3A_726 = tpu.memref_slice %arg20[%dma_start3A_718] : memref<4x!tpu.dma_semaphore, #tpu.memory_space<semaphore_mem>> -> memref<1x!tpu.dma_semaphore, #tpu.memory_space<semaphore_mem>>
    %dma_start3A_727 = tpu.memref_squeeze %dma_start3A_726 : memref<1x!tpu.dma_semaphore, #tpu.memory_space<semaphore_mem>> -> memref<!tpu.dma_semaphore, #tpu.memory_space<semaphore_mem>>
    %dma_start3A_728 = arith.constant 0 : i32
    %dma_start3A_729 = tpu.memref_slice %arg5[%dma_start3A_717, %add3A_715, %dma_start3A_728] : memref<4x8192x128xf32, #tpu.memory_space<hbm>> -> memref<1x128x128xf32, #tpu.memory_space<hbm>>
    %dma_start3A_730 = tpu.memref_squeeze %dma_start3A_729 : memref<1x128x128xf32, #tpu.memory_space<hbm>> -> memref<128x128xf32, #tpu.memory_space<hbm>>
    %dma_start3A_731 = arith.constant 0 : i32
    %dma_start3A_732 = arith.constant 0 : i32
    %dma_start3A_733 = tpu.memref_slice %arg15[%dma_start3A_716, %dma_start3A_731, %dma_start3A_732] : memref<4x128x128xf32, #tpu.memory_space<vmem>> -> memref<1x128x128xf32, #tpu.memory_space<vmem>>
    %dma_start3A_734 = tpu.memref_squeeze %dma_start3A_733 : memref<1x128x128xf32, #tpu.memory_space<vmem>> -> memref<128x128xf32, #tpu.memory_space<vmem>>
    tpu.enqueue_dma source(%dma_start3A_734 : memref<128x128xf32, #tpu.memory_space<vmem>>) target(%dma_start3A_730 : memref<128x128xf32, #tpu.memory_space<hbm>>) target_semaphore(%dma_start3A_727 : memref<!tpu.dma_semaphore, #tpu.memory_space<semaphore_mem>>)
    %add3A_735 = arith.constant 128 : i32
    %add3A_736 = arith.addi %mul3A_2, %add3A_735 : i32
    %dma_wait3A_737 = arith.constant 3 : i32
    %dma_wait3A_738 = arith.constant 1 : i32
    %dma_wait3A_739 = arith.constant 3 : i32
    %dma_wait3A_740 = arith.constant 0 : i32
    %dma_wait3A_741 = arith.constant 0 : i32
    %dma_wait3A_742 = tpu.memref_slice %arg15[%dma_wait3A_737, %dma_wait3A_740, %dma_wait3A_741] : memref<4x128x128xf32, #tpu.memory_space<vmem>> -> memref<1x128x128xf32, #tpu.memory_space<vmem>>
    %dma_wait3A_743 = tpu.memref_squeeze %dma_wait3A_742 : memref<1x128x128xf32, #tpu.memory_space<vmem>> -> memref<128x128xf32, #tpu.memory_space<vmem>>
    %dma_wait3A_744 = arith.constant 0 : i32
    %dma_wait3A_745 = tpu.memref_slice %arg5[%dma_wait3A_738, %add3A_736, %dma_wait3A_744] : memref<4x8192x128xf32, #tpu.memory_space<hbm>> -> memref<1x128x128xf32, #tpu.memory_space<hbm>>
    %dma_wait3A_746 = tpu.memref_squeeze %dma_wait3A_745 : memref<1x128x128xf32, #tpu.memory_space<hbm>> -> memref<128x128xf32, #tpu.memory_space<hbm>>
    %dma_wait3A_747 = tpu.memref_slice %arg20[%dma_wait3A_739] : memref<4x!tpu.dma_semaphore, #tpu.memory_space<semaphore_mem>> -> memref<1x!tpu.dma_semaphore, #tpu.memory_space<semaphore_mem>>
    %dma_wait3A_748 = tpu.memref_squeeze %dma_wait3A_747 : memref<1x!tpu.dma_semaphore, #tpu.memory_space<semaphore_mem>> -> memref<!tpu.dma_semaphore, #tpu.memory_space<semaphore_mem>>
    %dma_wait3A_749 = arith.constant 0 : i32
    %dma_wait3A_750 = tpu.memref_slice %arg5[%dma_wait3A_738, %add3A_736, %dma_wait3A_749] : memref<4x8192x128xf32, #tpu.memory_space<hbm>> -> memref<1x128x128xf32, #tpu.memory_space<hbm>>
    %dma_wait3A_751 = tpu.memref_squeeze %dma_wait3A_750 : memref<1x128x128xf32, #tpu.memory_space<hbm>> -> memref<128x128xf32, #tpu.memory_space<hbm>>
    %dma_wait3A_752 = arith.constant 0 : i32
    %dma_wait3A_753 = arith.constant 0 : i32
    %dma_wait3A_754 = tpu.memref_slice %arg15[%dma_wait3A_737, %dma_wait3A_752, %dma_wait3A_753] : memref<4x128x128xf32, #tpu.memory_space<vmem>> -> memref<1x128x128xf32, #tpu.memory_space<vmem>>
    %dma_wait3A_755 = tpu.memref_squeeze %dma_wait3A_754 : memref<1x128x128xf32, #tpu.memory_space<vmem>> -> memref<128x128xf32, #tpu.memory_space<vmem>>
    tpu.wait_dma2 semaphore(%dma_wait3A_748 : memref<!tpu.dma_semaphore, #tpu.memory_space<semaphore_mem>>) src(%dma_wait3A_755 : memref<128x128xf32, #tpu.memory_space<vmem>>) dst(%dma_wait3A_751 : memref<128x128xf32, #tpu.memory_space<hbm>>)
    %mul3A_756 = arith.constant 256 : i32
    %mul3A_757 = arith.muli %arg1, %mul3A_756 : i32
    %add3A_758 = arith.constant 128 : i32
    %add3A_759 = arith.addi %mul3A_757, %add3A_758 : i32
    %dma_start3A_760 = arith.constant 3 : i32
    %dma_start3A_761 = arith.constant 3 : i32
    %dma_start3A_762 = arith.constant 0 : i32
    %dma_start3A_763 = arith.constant 0 : i32
    %dma_start3A_764 = tpu.memref_slice %arg15[%dma_start3A_760, %dma_start3A_762, %dma_start3A_763] : memref<4x128x128xf32, #tpu.memory_space<vmem>> -> memref<1x128x128xf32, #tpu.memory_space<vmem>>
    %dma_start3A_765 = tpu.memref_squeeze %dma_start3A_764 : memref<1x128x128xf32, #tpu.memory_space<vmem>> -> memref<128x128xf32, #tpu.memory_space<vmem>>
    %dma_start3A_766 = arith.constant 0 : i32
    %dma_start3A_767 = tpu.memref_slice %arg14[%add3A_759, %dma_start3A_766] : memref<4096x128xf32, #tpu.memory_space<vmem_shared>> -> memref<128x128xf32, #tpu.memory_space<vmem_shared>>
    %dma_start3A_768 = tpu.memref_slice %arg18[%dma_start3A_761] : memref<4x!tpu.dma_semaphore, #tpu.memory_space<semaphore_mem>> -> memref<1x!tpu.dma_semaphore, #tpu.memory_space<semaphore_mem>>
    %dma_start3A_769 = tpu.memref_squeeze %dma_start3A_768 : memref<1x!tpu.dma_semaphore, #tpu.memory_space<semaphore_mem>> -> memref<!tpu.dma_semaphore, #tpu.memory_space<semaphore_mem>>
    %dma_start3A_770 = arith.constant 0 : i32
    %dma_start3A_771 = arith.constant 0 : i32
    %dma_start3A_772 = tpu.memref_slice %arg15[%dma_start3A_760, %dma_start3A_770, %dma_start3A_771] : memref<4x128x128xf32, #tpu.memory_space<vmem>> -> memref<1x128x128xf32, #tpu.memory_space<vmem>>
    %dma_start3A_773 = tpu.memref_squeeze %dma_start3A_772 : memref<1x128x128xf32, #tpu.memory_space<vmem>> -> memref<128x128xf32, #tpu.memory_space<vmem>>
    %dma_start3A_774 = arith.constant 0 : i32
    %dma_start3A_775 = tpu.memref_slice %arg14[%add3A_759, %dma_start3A_774] : memref<4096x128xf32, #tpu.memory_space<vmem_shared>> -> memref<128x128xf32, #tpu.memory_space<vmem_shared>>
    tpu.enqueue_dma source(%dma_start3A_775 : memref<128x128xf32, #tpu.memory_space<vmem_shared>>) target(%dma_start3A_773 : memref<128x128xf32, #tpu.memory_space<vmem>>) target_semaphore(%dma_start3A_769 : memref<!tpu.dma_semaphore, #tpu.memory_space<semaphore_mem>>)
    %mul3A_776 = arith.constant 256 : i32
    %mul3A_777 = arith.muli %arg1, %mul3A_776 : i32
    %add3A_778 = arith.constant 128 : i32
    %add3A_779 = arith.addi %mul3A_777, %add3A_778 : i32
    %dma_wait3A_780 = arith.constant 3 : i32
    %dma_wait3A_781 = arith.constant 3 : i32
    %dma_wait3A_782 = arith.constant 0 : i32
    %dma_wait3A_783 = arith.constant 0 : i32
    %dma_wait3A_784 = tpu.memref_slice %arg15[%dma_wait3A_780, %dma_wait3A_782, %dma_wait3A_783] : memref<4x128x128xf32, #tpu.memory_space<vmem>> -> memref<1x128x128xf32, #tpu.memory_space<vmem>>
    %dma_wait3A_785 = tpu.memref_squeeze %dma_wait3A_784 : memref<1x128x128xf32, #tpu.memory_space<vmem>> -> memref<128x128xf32, #tpu.memory_space<vmem>>
    %dma_wait3A_786 = arith.constant 0 : i32
    %dma_wait3A_787 = tpu.memref_slice %arg14[%add3A_779, %dma_wait3A_786] : memref<4096x128xf32, #tpu.memory_space<vmem_shared>> -> memref<128x128xf32, #tpu.memory_space<vmem_shared>>
    %dma_wait3A_788 = tpu.memref_slice %arg18[%dma_wait3A_781] : memref<4x!tpu.dma_semaphore, #tpu.memory_space<semaphore_mem>> -> memref<1x!tpu.dma_semaphore, #tpu.memory_space<semaphore_mem>>
    %dma_wait3A_789 = tpu.memref_squeeze %dma_wait3A_788 : memref<1x!tpu.dma_semaphore, #tpu.memory_space<semaphore_mem>> -> memref<!tpu.dma_semaphore, #tpu.memory_space<semaphore_mem>>
    %dma_wait3A_790 = arith.constant 0 : i32
    %dma_wait3A_791 = arith.constant 0 : i32
    %dma_wait3A_792 = tpu.memref_slice %arg15[%dma_wait3A_780, %dma_wait3A_790, %dma_wait3A_791] : memref<4x128x128xf32, #tpu.memory_space<vmem>> -> memref<1x128x128xf32, #tpu.memory_space<vmem>>
    %dma_wait3A_793 = tpu.memref_squeeze %dma_wait3A_792 : memref<1x128x128xf32, #tpu.memory_space<vmem>> -> memref<128x128xf32, #tpu.memory_space<vmem>>
    %dma_wait3A_794 = arith.constant 0 : i32
    %dma_wait3A_795 = tpu.memref_slice %arg14[%add3A_779, %dma_wait3A_794] : memref<4096x128xf32, #tpu.memory_space<vmem_shared>> -> memref<128x128xf32, #tpu.memory_space<vmem_shared>>
    tpu.wait_dma2 semaphore(%dma_wait3A_789 : memref<!tpu.dma_semaphore, #tpu.memory_space<semaphore_mem>>) src(%dma_wait3A_795 : memref<128x128xf32, #tpu.memory_space<vmem_shared>>) dst(%dma_wait3A_793 : memref<128x128xf32, #tpu.memory_space<vmem>>)
    %dma_start3A_796 = arith.constant 3 : i32
    %dma_start3A_797 = arith.constant 3 : i32
    %dma_start3A_798 = arith.constant 0 : i32
    %dma_start3A_799 = arith.constant 0 : i32
    %dma_start3A_800 = tpu.memref_slice %arg15[%dma_start3A_796, %dma_start3A_798, %dma_start3A_799] : memref<4x128x128xf32, #tpu.memory_space<vmem>> -> memref<1x128x128xf32, #tpu.memory_space<vmem>>
    %dma_start3A_801 = tpu.memref_squeeze %dma_start3A_800 : memref<1x128x128xf32, #tpu.memory_space<vmem>> -> memref<128x128xf32, #tpu.memory_space<vmem>>
    %dma_start3A_802 = arith.constant 0 : i32
    %dma_start3A_803 = arith.constant 0 : i32
    %dma_start3A_804 = tpu.memref_slice %arg3[%dma_start3A_802, %dma_start3A_803] : memref<1000000x128xf32, #tpu.memory_space<hbm>> -> memref<1000000x128xf32, #tpu.memory_space<hbm>>
    %dma_start3A_805 = tpu.memref_slice %arg19[%dma_start3A_797] : memref<4x!tpu.dma_semaphore, #tpu.memory_space<semaphore_mem>> -> memref<1x!tpu.dma_semaphore, #tpu.memory_space<semaphore_mem>>
    %dma_start3A_806 = tpu.memref_squeeze %dma_start3A_805 : memref<1x!tpu.dma_semaphore, #tpu.memory_space<semaphore_mem>> -> memref<!tpu.dma_semaphore, #tpu.memory_space<semaphore_mem>>
    tpu.enqueue_indirect_dma source(%dma_start3A_804 : memref<1000000x128xf32, #tpu.memory_space<hbm>>) target(%dma_start3A_801 : memref<128x128xf32, #tpu.memory_space<vmem>>) offsets(%arg13 : memref<128xi32, #tpu.memory_space<vmem>>) semaphore(%dma_start3A_806 : memref<!tpu.dma_semaphore, #tpu.memory_space<semaphore_mem>>) {add = true}
    %dma_wait3A_807 = arith.constant 2 : i32
    %dma_wait3A_808 = arith.constant 2 : i32
    %dma_wait3A_809 = arith.constant 0 : i32
    %dma_wait3A_810 = arith.constant 0 : i32
    %dma_wait3A_811 = tpu.memref_slice %arg15[%dma_wait3A_807, %dma_wait3A_809, %dma_wait3A_810] : memref<4x128x128xf32, #tpu.memory_space<vmem>> -> memref<1x128x128xf32, #tpu.memory_space<vmem>>
    %dma_wait3A_812 = tpu.memref_squeeze %dma_wait3A_811 : memref<1x128x128xf32, #tpu.memory_space<vmem>> -> memref<128x128xf32, #tpu.memory_space<vmem>>
    %dma_wait3A_813 = arith.constant 0 : i32
    %dma_wait3A_814 = arith.constant 0 : i32
    %dma_wait3A_815 = tpu.memref_slice %arg3[%dma_wait3A_813, %dma_wait3A_814] : memref<1000000x128xf32, #tpu.memory_space<hbm>> -> memref<1000000x128xf32, #tpu.memory_space<hbm>>
    %dma_wait3A_816 = tpu.memref_slice %arg19[%dma_wait3A_808] : memref<4x!tpu.dma_semaphore, #tpu.memory_space<semaphore_mem>> -> memref<1x!tpu.dma_semaphore, #tpu.memory_space<semaphore_mem>>
    %dma_wait3A_817 = tpu.memref_squeeze %dma_wait3A_816 : memref<1x!tpu.dma_semaphore, #tpu.memory_space<semaphore_mem>> -> memref<!tpu.dma_semaphore, #tpu.memory_space<semaphore_mem>>
    tpu.wait_indirect_dma semaphore(%dma_wait3A_817 : memref<!tpu.dma_semaphore, #tpu.memory_space<semaphore_mem>>) src(%dma_wait3A_815 : memref<1000000x128xf32, #tpu.memory_space<hbm>>) dst(%dma_wait3A_812 : memref<128x128xf32, #tpu.memory_space<vmem>>)
    %add3A_818 = arith.constant 0 : i32
    %add3A_819 = arith.addi %mul3A_2, %add3A_818 : i32
    %dma_start3A_820 = arith.constant 2 : i32
    %dma_start3A_821 = arith.constant 3 : i32
    %dma_start3A_822 = arith.constant 2 : i32
    %dma_start3A_823 = arith.constant 0 : i32
    %dma_start3A_824 = arith.constant 0 : i32
    %dma_start3A_825 = tpu.memref_slice %arg15[%dma_start3A_820, %dma_start3A_823, %dma_start3A_824] : memref<4x128x128xf32, #tpu.memory_space<vmem>> -> memref<1x128x128xf32, #tpu.memory_space<vmem>>
    %dma_start3A_826 = tpu.memref_squeeze %dma_start3A_825 : memref<1x128x128xf32, #tpu.memory_space<vmem>> -> memref<128x128xf32, #tpu.memory_space<vmem>>
    %dma_start3A_827 = arith.constant 0 : i32
    %dma_start3A_828 = tpu.memref_slice %arg5[%dma_start3A_821, %add3A_819, %dma_start3A_827] : memref<4x8192x128xf32, #tpu.memory_space<hbm>> -> memref<1x128x128xf32, #tpu.memory_space<hbm>>
    %dma_start3A_829 = tpu.memref_squeeze %dma_start3A_828 : memref<1x128x128xf32, #tpu.memory_space<hbm>> -> memref<128x128xf32, #tpu.memory_space<hbm>>
    %dma_start3A_830 = tpu.memref_slice %arg20[%dma_start3A_822] : memref<4x!tpu.dma_semaphore, #tpu.memory_space<semaphore_mem>> -> memref<1x!tpu.dma_semaphore, #tpu.memory_space<semaphore_mem>>
    %dma_start3A_831 = tpu.memref_squeeze %dma_start3A_830 : memref<1x!tpu.dma_semaphore, #tpu.memory_space<semaphore_mem>> -> memref<!tpu.dma_semaphore, #tpu.memory_space<semaphore_mem>>
    %dma_start3A_832 = arith.constant 0 : i32
    %dma_start3A_833 = tpu.memref_slice %arg5[%dma_start3A_821, %add3A_819, %dma_start3A_832] : memref<4x8192x128xf32, #tpu.memory_space<hbm>> -> memref<1x128x128xf32, #tpu.memory_space<hbm>>
    %dma_start3A_834 = tpu.memref_squeeze %dma_start3A_833 : memref<1x128x128xf32, #tpu.memory_space<hbm>> -> memref<128x128xf32, #tpu.memory_space<hbm>>
    %dma_start3A_835 = arith.constant 0 : i32
    %dma_start3A_836 = arith.constant 0 : i32
    %dma_start3A_837 = tpu.memref_slice %arg15[%dma_start3A_820, %dma_start3A_835, %dma_start3A_836] : memref<4x128x128xf32, #tpu.memory_space<vmem>> -> memref<1x128x128xf32, #tpu.memory_space<vmem>>
    %dma_start3A_838 = tpu.memref_squeeze %dma_start3A_837 : memref<1x128x128xf32, #tpu.memory_space<vmem>> -> memref<128x128xf32, #tpu.memory_space<vmem>>
    tpu.enqueue_dma source(%dma_start3A_838 : memref<128x128xf32, #tpu.memory_space<vmem>>) target(%dma_start3A_834 : memref<128x128xf32, #tpu.memory_space<hbm>>) target_semaphore(%dma_start3A_831 : memref<!tpu.dma_semaphore, #tpu.memory_space<semaphore_mem>>)
    %dma_wait3A_839 = arith.constant 3 : i32
    %dma_wait3A_840 = arith.constant 3 : i32
    %dma_wait3A_841 = arith.constant 0 : i32
    %dma_wait3A_842 = arith.constant 0 : i32
    %dma_wait3A_843 = tpu.memref_slice %arg15[%dma_wait3A_839, %dma_wait3A_841, %dma_wait3A_842] : memref<4x128x128xf32, #tpu.memory_space<vmem>> -> memref<1x128x128xf32, #tpu.memory_space<vmem>>
    %dma_wait3A_844 = tpu.memref_squeeze %dma_wait3A_843 : memref<1x128x128xf32, #tpu.memory_space<vmem>> -> memref<128x128xf32, #tpu.memory_space<vmem>>
    %dma_wait3A_845 = arith.constant 0 : i32
    %dma_wait3A_846 = arith.constant 0 : i32
    %dma_wait3A_847 = tpu.memref_slice %arg3[%dma_wait3A_845, %dma_wait3A_846] : memref<1000000x128xf32, #tpu.memory_space<hbm>> -> memref<1000000x128xf32, #tpu.memory_space<hbm>>
    %dma_wait3A_848 = tpu.memref_slice %arg19[%dma_wait3A_840] : memref<4x!tpu.dma_semaphore, #tpu.memory_space<semaphore_mem>> -> memref<1x!tpu.dma_semaphore, #tpu.memory_space<semaphore_mem>>
    %dma_wait3A_849 = tpu.memref_squeeze %dma_wait3A_848 : memref<1x!tpu.dma_semaphore, #tpu.memory_space<semaphore_mem>> -> memref<!tpu.dma_semaphore, #tpu.memory_space<semaphore_mem>>
    tpu.wait_indirect_dma semaphore(%dma_wait3A_849 : memref<!tpu.dma_semaphore, #tpu.memory_space<semaphore_mem>>) src(%dma_wait3A_847 : memref<1000000x128xf32, #tpu.memory_space<hbm>>) dst(%dma_wait3A_844 : memref<128x128xf32, #tpu.memory_space<vmem>>)
    %add3A_850 = arith.constant 128 : i32
    %add3A_851 = arith.addi %mul3A_2, %add3A_850 : i32
    %dma_start3A_852 = arith.constant 3 : i32
    %dma_start3A_853 = arith.constant 3 : i32
    %dma_start3A_854 = arith.constant 3 : i32
    %dma_start3A_855 = arith.constant 0 : i32
    %dma_start3A_856 = arith.constant 0 : i32
    %dma_start3A_857 = tpu.memref_slice %arg15[%dma_start3A_852, %dma_start3A_855, %dma_start3A_856] : memref<4x128x128xf32, #tpu.memory_space<vmem>> -> memref<1x128x128xf32, #tpu.memory_space<vmem>>
    %dma_start3A_858 = tpu.memref_squeeze %dma_start3A_857 : memref<1x128x128xf32, #tpu.memory_space<vmem>> -> memref<128x128xf32, #tpu.memory_space<vmem>>
    %dma_start3A_859 = arith.constant 0 : i32
    %dma_start3A_860 = tpu.memref_slice %arg5[%dma_start3A_853, %add3A_851, %dma_start3A_859] : memref<4x8192x128xf32, #tpu.memory_space<hbm>> -> memref<1x128x128xf32, #tpu.memory_space<hbm>>
    %dma_start3A_861 = tpu.memref_squeeze %dma_start3A_860 : memref<1x128x128xf32, #tpu.memory_space<hbm>> -> memref<128x128xf32, #tpu.memory_space<hbm>>
    %dma_start3A_862 = tpu.memref_slice %arg20[%dma_start3A_854] : memref<4x!tpu.dma_semaphore, #tpu.memory_space<semaphore_mem>> -> memref<1x!tpu.dma_semaphore, #tpu.memory_space<semaphore_mem>>
    %dma_start3A_863 = tpu.memref_squeeze %dma_start3A_862 : memref<1x!tpu.dma_semaphore, #tpu.memory_space<semaphore_mem>> -> memref<!tpu.dma_semaphore, #tpu.memory_space<semaphore_mem>>
    %dma_start3A_864 = arith.constant 0 : i32
    %dma_start3A_865 = tpu.memref_slice %arg5[%dma_start3A_853, %add3A_851, %dma_start3A_864] : memref<4x8192x128xf32, #tpu.memory_space<hbm>> -> memref<1x128x128xf32, #tpu.memory_space<hbm>>
    %dma_start3A_866 = tpu.memref_squeeze %dma_start3A_865 : memref<1x128x128xf32, #tpu.memory_space<hbm>> -> memref<128x128xf32, #tpu.memory_space<hbm>>
    %dma_start3A_867 = arith.constant 0 : i32
    %dma_start3A_868 = arith.constant 0 : i32
    %dma_start3A_869 = tpu.memref_slice %arg15[%dma_start3A_852, %dma_start3A_867, %dma_start3A_868] : memref<4x128x128xf32, #tpu.memory_space<vmem>> -> memref<1x128x128xf32, #tpu.memory_space<vmem>>
    %dma_start3A_870 = tpu.memref_squeeze %dma_start3A_869 : memref<1x128x128xf32, #tpu.memory_space<vmem>> -> memref<128x128xf32, #tpu.memory_space<vmem>>
    tpu.enqueue_dma source(%dma_start3A_870 : memref<128x128xf32, #tpu.memory_space<vmem>>) target(%dma_start3A_866 : memref<128x128xf32, #tpu.memory_space<hbm>>) target_semaphore(%dma_start3A_863 : memref<!tpu.dma_semaphore, #tpu.memory_space<semaphore_mem>>)
    %add3A_871 = arith.constant 0 : i32
    %add3A_872 = arith.addi %mul3A_2, %add3A_871 : i32
    %dma_wait3A_873 = arith.constant 0 : i32
    %dma_wait3A_874 = arith.constant 2 : i32
    %dma_wait3A_875 = arith.constant 0 : i32
    %dma_wait3A_876 = arith.constant 0 : i32
    %dma_wait3A_877 = arith.constant 0 : i32
    %dma_wait3A_878 = tpu.memref_slice %arg15[%dma_wait3A_873, %dma_wait3A_876, %dma_wait3A_877] : memref<4x128x128xf32, #tpu.memory_space<vmem>> -> memref<1x128x128xf32, #tpu.memory_space<vmem>>
    %dma_wait3A_879 = tpu.memref_squeeze %dma_wait3A_878 : memref<1x128x128xf32, #tpu.memory_space<vmem>> -> memref<128x128xf32, #tpu.memory_space<vmem>>
    %dma_wait3A_880 = arith.constant 0 : i32
    %dma_wait3A_881 = tpu.memref_slice %arg5[%dma_wait3A_874, %add3A_872, %dma_wait3A_880] : memref<4x8192x128xf32, #tpu.memory_space<hbm>> -> memref<1x128x128xf32, #tpu.memory_space<hbm>>
    %dma_wait3A_882 = tpu.memref_squeeze %dma_wait3A_881 : memref<1x128x128xf32, #tpu.memory_space<hbm>> -> memref<128x128xf32, #tpu.memory_space<hbm>>
    %dma_wait3A_883 = tpu.memref_slice %arg20[%dma_wait3A_875] : memref<4x!tpu.dma_semaphore, #tpu.memory_space<semaphore_mem>> -> memref<1x!tpu.dma_semaphore, #tpu.memory_space<semaphore_mem>>
    %dma_wait3A_884 = tpu.memref_squeeze %dma_wait3A_883 : memref<1x!tpu.dma_semaphore, #tpu.memory_space<semaphore_mem>> -> memref<!tpu.dma_semaphore, #tpu.memory_space<semaphore_mem>>
    %dma_wait3A_885 = arith.constant 0 : i32
    %dma_wait3A_886 = tpu.memref_slice %arg5[%dma_wait3A_874, %add3A_872, %dma_wait3A_885] : memref<4x8192x128xf32, #tpu.memory_space<hbm>> -> memref<1x128x128xf32, #tpu.memory_space<hbm>>
    %dma_wait3A_887 = tpu.memref_squeeze %dma_wait3A_886 : memref<1x128x128xf32, #tpu.memory_space<hbm>> -> memref<128x128xf32, #tpu.memory_space<hbm>>
    %dma_wait3A_888 = arith.constant 0 : i32
    %dma_wait3A_889 = arith.constant 0 : i32
    %dma_wait3A_890 = tpu.memref_slice %arg15[%dma_wait3A_873, %dma_wait3A_888, %dma_wait3A_889] : memref<4x128x128xf32, #tpu.memory_space<vmem>> -> memref<1x128x128xf32, #tpu.memory_space<vmem>>
    %dma_wait3A_891 = tpu.memref_squeeze %dma_wait3A_890 : memref<1x128x128xf32, #tpu.memory_space<vmem>> -> memref<128x128xf32, #tpu.memory_space<vmem>>
    tpu.wait_dma2 semaphore(%dma_wait3A_884 : memref<!tpu.dma_semaphore, #tpu.memory_space<semaphore_mem>>) src(%dma_wait3A_891 : memref<128x128xf32, #tpu.memory_space<vmem>>) dst(%dma_wait3A_887 : memref<128x128xf32, #tpu.memory_space<hbm>>)
    %add3A_892 = arith.constant 128 : i32
    %add3A_893 = arith.addi %mul3A_2, %add3A_892 : i32
    %dma_wait3A_894 = arith.constant 1 : i32
    %dma_wait3A_895 = arith.constant 2 : i32
    %dma_wait3A_896 = arith.constant 1 : i32
    %dma_wait3A_897 = arith.constant 0 : i32
    %dma_wait3A_898 = arith.constant 0 : i32
    %dma_wait3A_899 = tpu.memref_slice %arg15[%dma_wait3A_894, %dma_wait3A_897, %dma_wait3A_898] : memref<4x128x128xf32, #tpu.memory_space<vmem>> -> memref<1x128x128xf32, #tpu.memory_space<vmem>>
    %dma_wait3A_900 = tpu.memref_squeeze %dma_wait3A_899 : memref<1x128x128xf32, #tpu.memory_space<vmem>> -> memref<128x128xf32, #tpu.memory_space<vmem>>
    %dma_wait3A_901 = arith.constant 0 : i32
    %dma_wait3A_902 = tpu.memref_slice %arg5[%dma_wait3A_895, %add3A_893, %dma_wait3A_901] : memref<4x8192x128xf32, #tpu.memory_space<hbm>> -> memref<1x128x128xf32, #tpu.memory_space<hbm>>
    %dma_wait3A_903 = tpu.memref_squeeze %dma_wait3A_902 : memref<1x128x128xf32, #tpu.memory_space<hbm>> -> memref<128x128xf32, #tpu.memory_space<hbm>>
    %dma_wait3A_904 = tpu.memref_slice %arg20[%dma_wait3A_896] : memref<4x!tpu.dma_semaphore, #tpu.memory_space<semaphore_mem>> -> memref<1x!tpu.dma_semaphore, #tpu.memory_space<semaphore_mem>>
    %dma_wait3A_905 = tpu.memref_squeeze %dma_wait3A_904 : memref<1x!tpu.dma_semaphore, #tpu.memory_space<semaphore_mem>> -> memref<!tpu.dma_semaphore, #tpu.memory_space<semaphore_mem>>
    %dma_wait3A_906 = arith.constant 0 : i32
    %dma_wait3A_907 = tpu.memref_slice %arg5[%dma_wait3A_895, %add3A_893, %dma_wait3A_906] : memref<4x8192x128xf32, #tpu.memory_space<hbm>> -> memref<1x128x128xf32, #tpu.memory_space<hbm>>
    %dma_wait3A_908 = tpu.memref_squeeze %dma_wait3A_907 : memref<1x128x128xf32, #tpu.memory_space<hbm>> -> memref<128x128xf32, #tpu.memory_space<hbm>>
    %dma_wait3A_909 = arith.constant 0 : i32
    %dma_wait3A_910 = arith.constant 0 : i32
    %dma_wait3A_911 = tpu.memref_slice %arg15[%dma_wait3A_894, %dma_wait3A_909, %dma_wait3A_910] : memref<4x128x128xf32, #tpu.memory_space<vmem>> -> memref<1x128x128xf32, #tpu.memory_space<vmem>>
    %dma_wait3A_912 = tpu.memref_squeeze %dma_wait3A_911 : memref<1x128x128xf32, #tpu.memory_space<vmem>> -> memref<128x128xf32, #tpu.memory_space<vmem>>
    tpu.wait_dma2 semaphore(%dma_wait3A_905 : memref<!tpu.dma_semaphore, #tpu.memory_space<semaphore_mem>>) src(%dma_wait3A_912 : memref<128x128xf32, #tpu.memory_space<vmem>>) dst(%dma_wait3A_908 : memref<128x128xf32, #tpu.memory_space<hbm>>)
    %add3A_913 = arith.constant 0 : i32
    %add3A_914 = arith.addi %mul3A_2, %add3A_913 : i32
    %dma_wait3A_915 = arith.constant 2 : i32
    %dma_wait3A_916 = arith.constant 3 : i32
    %dma_wait3A_917 = arith.constant 2 : i32
    %dma_wait3A_918 = arith.constant 0 : i32
    %dma_wait3A_919 = arith.constant 0 : i32
    %dma_wait3A_920 = tpu.memref_slice %arg15[%dma_wait3A_915, %dma_wait3A_918, %dma_wait3A_919] : memref<4x128x128xf32, #tpu.memory_space<vmem>> -> memref<1x128x128xf32, #tpu.memory_space<vmem>>
    %dma_wait3A_921 = tpu.memref_squeeze %dma_wait3A_920 : memref<1x128x128xf32, #tpu.memory_space<vmem>> -> memref<128x128xf32, #tpu.memory_space<vmem>>
    %dma_wait3A_922 = arith.constant 0 : i32
    %dma_wait3A_923 = tpu.memref_slice %arg5[%dma_wait3A_916, %add3A_914, %dma_wait3A_922] : memref<4x8192x128xf32, #tpu.memory_space<hbm>> -> memref<1x128x128xf32, #tpu.memory_space<hbm>>
    %dma_wait3A_924 = tpu.memref_squeeze %dma_wait3A_923 : memref<1x128x128xf32, #tpu.memory_space<hbm>> -> memref<128x128xf32, #tpu.memory_space<hbm>>
    %dma_wait3A_925 = tpu.memref_slice %arg20[%dma_wait3A_917] : memref<4x!tpu.dma_semaphore, #tpu.memory_space<semaphore_mem>> -> memref<1x!tpu.dma_semaphore, #tpu.memory_space<semaphore_mem>>
    %dma_wait3A_926 = tpu.memref_squeeze %dma_wait3A_925 : memref<1x!tpu.dma_semaphore, #tpu.memory_space<semaphore_mem>> -> memref<!tpu.dma_semaphore, #tpu.memory_space<semaphore_mem>>
    %dma_wait3A_927 = arith.constant 0 : i32
    %dma_wait3A_928 = tpu.memref_slice %arg5[%dma_wait3A_916, %add3A_914, %dma_wait3A_927] : memref<4x8192x128xf32, #tpu.memory_space<hbm>> -> memref<1x128x128xf32, #tpu.memory_space<hbm>>
    %dma_wait3A_929 = tpu.memref_squeeze %dma_wait3A_928 : memref<1x128x128xf32, #tpu.memory_space<hbm>> -> memref<128x128xf32, #tpu.memory_space<hbm>>
    %dma_wait3A_930 = arith.constant 0 : i32
    %dma_wait3A_931 = arith.constant 0 : i32
    %dma_wait3A_932 = tpu.memref_slice %arg15[%dma_wait3A_915, %dma_wait3A_930, %dma_wait3A_931] : memref<4x128x128xf32, #tpu.memory_space<vmem>> -> memref<1x128x128xf32, #tpu.memory_space<vmem>>
    %dma_wait3A_933 = tpu.memref_squeeze %dma_wait3A_932 : memref<1x128x128xf32, #tpu.memory_space<vmem>> -> memref<128x128xf32, #tpu.memory_space<vmem>>
    tpu.wait_dma2 semaphore(%dma_wait3A_926 : memref<!tpu.dma_semaphore, #tpu.memory_space<semaphore_mem>>) src(%dma_wait3A_933 : memref<128x128xf32, #tpu.memory_space<vmem>>) dst(%dma_wait3A_929 : memref<128x128xf32, #tpu.memory_space<hbm>>)
    %add3A_934 = arith.constant 128 : i32
    %add3A_935 = arith.addi %mul3A_2, %add3A_934 : i32
    %dma_wait3A_936 = arith.constant 3 : i32
    %dma_wait3A_937 = arith.constant 3 : i32
    %dma_wait3A_938 = arith.constant 3 : i32
    %dma_wait3A_939 = arith.constant 0 : i32
    %dma_wait3A_940 = arith.constant 0 : i32
    %dma_wait3A_941 = tpu.memref_slice %arg15[%dma_wait3A_936, %dma_wait3A_939, %dma_wait3A_940] : memref<4x128x128xf32, #tpu.memory_space<vmem>> -> memref<1x128x128xf32, #tpu.memory_space<vmem>>
    %dma_wait3A_942 = tpu.memref_squeeze %dma_wait3A_941 : memref<1x128x128xf32, #tpu.memory_space<vmem>> -> memref<128x128xf32, #tpu.memory_space<vmem>>
    %dma_wait3A_943 = arith.constant 0 : i32
    %dma_wait3A_944 = tpu.memref_slice %arg5[%dma_wait3A_937, %add3A_935, %dma_wait3A_943] : memref<4x8192x128xf32, #tpu.memory_space<hbm>> -> memref<1x128x128xf32, #tpu.memory_space<hbm>>
    %dma_wait3A_945 = tpu.memref_squeeze %dma_wait3A_944 : memref<1x128x128xf32, #tpu.memory_space<hbm>> -> memref<128x128xf32, #tpu.memory_space<hbm>>
    %dma_wait3A_946 = tpu.memref_slice %arg20[%dma_wait3A_938] : memref<4x!tpu.dma_semaphore, #tpu.memory_space<semaphore_mem>> -> memref<1x!tpu.dma_semaphore, #tpu.memory_space<semaphore_mem>>
    %dma_wait3A_947 = tpu.memref_squeeze %dma_wait3A_946 : memref<1x!tpu.dma_semaphore, #tpu.memory_space<semaphore_mem>> -> memref<!tpu.dma_semaphore, #tpu.memory_space<semaphore_mem>>
    %dma_wait3A_948 = arith.constant 0 : i32
    %dma_wait3A_949 = tpu.memref_slice %arg5[%dma_wait3A_937, %add3A_935, %dma_wait3A_948] : memref<4x8192x128xf32, #tpu.memory_space<hbm>> -> memref<1x128x128xf32, #tpu.memory_space<hbm>>
    %dma_wait3A_950 = tpu.memref_squeeze %dma_wait3A_949 : memref<1x128x128xf32, #tpu.memory_space<hbm>> -> memref<128x128xf32, #tpu.memory_space<hbm>>
    %dma_wait3A_951 = arith.constant 0 : i32
    %dma_wait3A_952 = arith.constant 0 : i32
    %dma_wait3A_953 = tpu.memref_slice %arg15[%dma_wait3A_936, %dma_wait3A_951, %dma_wait3A_952] : memref<4x128x128xf32, #tpu.memory_space<vmem>> -> memref<1x128x128xf32, #tpu.memory_space<vmem>>
    %dma_wait3A_954 = tpu.memref_squeeze %dma_wait3A_953 : memref<1x128x128xf32, #tpu.memory_space<vmem>> -> memref<128x128xf32, #tpu.memory_space<vmem>>
    tpu.wait_dma2 semaphore(%dma_wait3A_947 : memref<!tpu.dma_semaphore, #tpu.memory_space<semaphore_mem>>) src(%dma_wait3A_954 : memref<128x128xf32, #tpu.memory_space<vmem>>) dst(%dma_wait3A_950 : memref<128x128xf32, #tpu.memory_space<hbm>>)
    return
  }
}

</mosaic_0001>

<sc_bundles>
// kernel: _embed.3.cloned.1.call-start
scs
__scs_entry_jumppad:
0x0: {  	(pc) =	sbr.rel $0x88, $3  }
0x1: {  	(tag) =	ssettag $0x0;
	lr =	simm.s32 $0x1  }
0x2: {  	[smem:$0x3F9E] =	sst lr;
	_ =	strace $0xD0000000  }
0x3: {  	_ = 	snop  }
0x4: {  	_ = 	snop  }
0x5: {  	_ = 	snop  }
0x6: {  	_ = 	snop  }
0x7: {  	_ = 	snop  }
__scs_overlays_trampoline_lowered:
0x8: {  	[smem:$0x3FAD] =	sst s0  }
0x9: {  	[smem:$0x3FAE] =	sst s1  }
0xa: {  	[smem:$0x3FAF] =	sst s2  }
0xb: {  	[smem:$0x3FB0] =	sst s3  }
0xc: {  	[smem:$0x3FB1] =	sst s4  }
0xd: {  	[smem:$0x3FB2] =	sst s5  }
0xe: {  	[smem:$0x3FB3] =	sst s6  }
0xf: {  	[smem:$0x3FB4] =	sst s7  }
0x10: {  	[smem:$0x3FB5] =	sst s8  }
0x11: {  	[smem:$0x3FB6] =	sst s9;
	s0 =	simm.s32 @!p0 $0x0  }
0x12: {  	s1 =	sld [smem:$0x3F9C];
	s0 =	simm.s32 @p0 $0x1  }
0x13: {  	[smem:$0x3FB7] =	sst s0;
	s0 =	simm.s32 @!p1 $0x0  }
0x14: {  	s2 =	sld [smem:$0x3F9B];
	s0 =	simm.s32 @p1 $0x1  }
0x15: {  	[smem:$0x3FB8] =	sst s0;
	s0 =	simm.s32 @!p2 $0x0  }
0x16: {  	s3 =	sld [smem:$0x3FDB];
	s0 =	simm.s32 @p2 $0x1  }
0x17: {  	s4 =	simm.s32 $0x1BF5;
	[smem:$0x3FBA] =	sst s0  }
0x18: {  	s0 =	sld [smem:$0x3F9D];
	_ =	swait.ge [sflag:s4], $0x0  }
0x19: {  	s7 =	sld [smem:$0x3F9E]  }
0x1a: {  	s8 =	sadd.s32 $0xFFFFE003, lr  }
0x1b: {  	s9 =	sadd.s32 $0xFFFFFEF7, lr;
	s5 =	simm.s32 $0xFFFFFFFF;
	p2 =	slt.u32 s8, $0xFFFFF086  }
0x1c: {  	p1 =	slt.u32 s9, $0xF7A;
	s5 =	simm.s32 @!p2 $0x0  }
0x1d: {  	s5 =	simm.s32 @p1 $0x1;
	p0 =	seq.s32 s7, s2  }
0x1e: {  	s7 =	smul.u32 @!p0 $0xF7A, s2;
	p2 =	seq.s32 @!p0 s5, $0x0  }
0x1f: {  	s9 =	smul.u32 $0xF7A, s1;
	s8 =	simm.s32 @!p0 $0x1BF5;
	p2 =	por !p2, p0  }
0x20: {  	[sflag:s8] =	ssyncset.s32 @!p0 $0xFFFFF086;
	s6 =	sadd.s32 @!p0 s3, s7;
	s7 =	simm.s32 @!p0 $0x108  }
0x21: {  	s3 =	sadd.s32 s3, s9;
	s6 =	sadd.s32 @!p0 $0x88, s6;
	s7 =	simm.s32 @p2 $0x1082  }
0x22: {  	[simem:s7], [sflag:s8] =	dma.local @!p0 [hbm:s6], $0xF7A  }
0x23: {  	s9 =	sor.u32 $0xD0000000, s2;
	s6 =	simm.s32 $0x108;
	_ =	swait.ge @!p0 [sflag:s8], $0x0  }
0x24: {  	s3 =	sadd.s32 $0x88, s3;
	s6 =	simm.s32 @!p1 $0x1082;
	[sflag:s4] =	ssyncset.s32 $0xFFFFF086  }
0x25: {  	[simem:s6], [sflag:s4] =	dma.local [hbm:s3], $0xF7A  }
0x26: {  	[smem:$0x3F9E] =	sst s1;
	(tag) =	ssettag s2;
	_ =	strace s9  }
0x27: {  	s1 =	sld [smem:$0x3FAE]  }
0x28: {  	s2 =	sld [smem:$0x3FAF]  }
0x29: {  	s4 =	sld [smem:$0x3FB1]  }
0x2a: {  	p0 =	seq.s32 s5, $0x0;
	s5 =	sld [smem:$0x3FB2]  }
0x2b: {  	s6 =	sld [smem:$0x3FB3]  }
0x2c: {  	s7 =	sld [smem:$0x3FB4]  }
0x2d: {  	s3 =	simm.s32 $0x108;
	s8 =	sld [smem:$0x3FB5]  }
0x2e: {  	s3 =	simm.s32 @!p0 $0x1082;
	s9 =	sld [smem:$0x3FB6]  }
0x2f: {  	lr =	sadd.s32 s0, s3;
	s0 =	sld [smem:$0x3FAD]  }
0x30: {  	s3 =	sld [smem:$0x3FB0]  }
0x31: {  	[smem:$0x3FB9] =	sst s10  }
0x32: {  	s10 =	sld [smem:$0x3FB7];
	_ =	sdelay $0x3  }
0x33: {  	p0 =	seq.s32 s10, $0x1;
	s10 =	sld [smem:$0x3FB9];
	_ =	sdelay $0x3  }
0x34: {  	[smem:$0x3FB9] =	sst s10  }
0x35: {  	s10 =	sld [smem:$0x3FB8];
	_ =	sdelay $0x3  }
0x36: {  	p1 =	seq.s32 s10, $0x1;
	s10 =	sld [smem:$0x3FB9];
	_ =	sdelay $0x3  }
0x37: {  	[smem:$0x3FB9] =	sst s10  }
0x38: {  	s10 =	sld [smem:$0x3FBA]  }
0x39: {  	_ = 	snop;
	(pc) =	sbr.ind lr, $3  }
0x3a: {  	_ = 	snop  }
0x3b: {  	_ = 	snop  }
0x3c: {  	p2 =	seq.s32 s10, $0x1;
	s10 =	sld [smem:$0x3FB9]  }
0x3d: {  	_ =	shalt  }
0x3e: {  	_ =	shalt  }
0x3f: {  	_ =	shalt  }
0x40: {  	_ =	shalt  }
0x41: {  	_ =	shalt  }
0x42: {  	_ =	shalt  }
0x43: {  	_ =	shalt  }
0x44: {  	_ =	shalt  }
0x45: {  	_ =	shalt  }
0x46: {  	_ =	shalt  }
0x47: {  	_ =	shalt  }
0x48: {  	_ =	shalt  }
0x49: {  	_ =	shalt  }
0x4a: {  	_ =	shalt  }
0x4b: {  	_ =	shalt  }
0x4c: {  	_ =	shalt  }
0x4d: {  	_ =	shalt  }
0x4e: {  	_ =	shalt  }
0x4f: {  	_ =	shalt  }
0x50: {  	_ =	shalt  }
0x51: {  	_ =	shalt  }
0x52: {  	_ =	shalt  }
0x53: {  	_ =	shalt  }
0x54: {  	_ =	shalt  }
0x55: {  	_ =	shalt  }
0x56: {  	_ =	shalt  }
0x57: {  	_ =	shalt  }
0x58: {  	_ =	shalt  }
0x59: {  	_ =	shalt  }
0x5a: {  	_ =	shalt  }
0x5b: {  	_ =	shalt  }
0x5c: {  	_ =	shalt  }
0x5d: {  	_ =	shalt  }
0x5e: {  	_ =	shalt  }
0x5f: {  	_ =	shalt  }
0x60: {  	_ =	shalt  }
0x61: {  	_ =	shalt  }
0x62: {  	_ =	shalt  }
0x63: {  	_ =	shalt  }
0x64: {  	_ =	shalt  }
0x65: {  	_ =	shalt  }
0x66: {  	_ =	shalt  }
0x67: {  	_ =	shalt  }
0x68: {  	_ =	shalt  }
0x69: {  	_ =	shalt  }
0x6a: {  	_ =	shalt  }
0x6b: {  	_ =	shalt  }
0x6c: {  	_ =	shalt  }
0x6d: {  	_ =	shalt  }
0x6e: {  	_ =	shalt  }
0x6f: {  	_ =	shalt  }
0x70: {  	_ =	shalt  }
0x71: {  	_ =	shalt  }
0x72: {  	_ =	shalt  }
0x73: {  	_ =	shalt  }
0x74: {  	_ =	shalt  }
0x75: {  	_ =	shalt  }
0x76: {  	_ =	shalt  }
0x77: {  	_ =	shalt  }
0x78: {  	_ =	shalt  }
0x79: {  	_ =	shalt  }
0x7a: {  	_ =	shalt  }
0x7b: {  	_ =	shalt  }
0x7c: {  	_ =	shalt  }
0x7d: {  	_ =	shalt  }
0x7e: {  	_ =	shalt  }
0x7f: {  	_ =	shalt  }
0x80: {  	_ =	shalt  }
0x81: {  	_ =	shalt  }
0x82: {  	_ =	shalt  }
0x83: {  	_ =	shalt  }
0x84: {  	_ =	shalt  }
0x85: {  	_ =	shalt  }
0x86: {  	_ =	shalt  }
0x87: {  	_ =	shalt  }
.Lfunc_end0:
.L_simem_size_0:
called_computation_lowered:
.L_overlay_start_0:
0x88: {  	s2 =	sld [smem:$0x3FD9]  }
0x89: {  	s3 =	sld [smem:$0x3FFE];
	_ =	sdelay $0x1  }
0x8a: {  	s1 =	srdreg.scid  }
0x8b: {  	s0 =	sand.u32 $0x1, s1  }
0x8c: {  	s18 =	sshll.u32 s0, $0xA;
	s2 =	sadd.s32 s3, s2  }
0x8d: {  	s2 =	sadd.s32 s2, s18  }
0x8e: {  	[smem:$0x3FC5] =	sst s2  }
0x8f: {  	_ = 	snop  }
0x90: {  	s2 =	sld [smem:$0x3FC9]  }
0x91: {  	s19 =	sld [smem:$0x3FC8]  }
0x92: {  	s4 =	sld [smem:$0x3FC7]  }
0x93: {  	s5 =	sld [smem:$0x3FD0];
	(tm) =	ssettm $0x1  }
0x94: {  	s6 =	sld [smem:$0x3FFB];
	_ =	sdelay $0x3  }
0x95: {  	_ =	strace s6  }
0x96: {  	s6 =	sld [smem:$0x3FFC];
	_ =	sdelay $0x3  }
0x97: {  	_ =	strace s6  }
0x98: {  	s6 =	sld [smem:$0x3FFD];
	_ =	sdelay $0x3  }
0x99: {  	_ =	strace s6  }
0x9a: {  	_ =	strace $0x8FFFFFFF  }
0x9b: {  	s20 =	sld [smem:$0x3FDB];
	_ =	sdelay $0x1  }
0x9c: {  	s7 =	simm.s32 $_scs_section_size  }
0x9d: {  	s8 =	simm.s32 $_size__tile_overlayer_lowered;
	s9 =	simm.s32 $_tile_overlayer_lowered  }
0x9e: {  	s23 =	simm.s32 $0x1BFF;
	s22 =	sshll.u32 s9, $0x1;
	s6 =	sadd.s32 s7, s20  }
0x9f: {  	s10 =	simm.s32 $0x0;
	s21 =	sshll.u32 s8, $0x1;
	s8 =	sadd.s32 s22, s6  }
0xa0: {  	[timem:s10], [sflag:s23] =	dma.local [hbm:s8], s21  }
0xa1: {  	_ =	swait.ge [sflag:s23], s21  }
0xa2: {  	s7 =	ssub.s32 $0x0, s21;
	[sflag:s23] =	ssyncset.done $0x0  }
0xa3: {  	[sflag:s23] =	ssyncadd.s32 s7;
	_ =	sdelay $0x1  }
0xa4: {  	s24 =	simm.s32 $0x1B8B  }
0xa5: {  	_ =	swait.ge [sflag:s24], $0x1  }
0xa6: {  	[sflag:s24] =	ssyncset.done $0x0  }
0xa7: {  	s25 =	simm.s32 $0x1B8E;
	[sflag:s24] =	ssyncadd.s32 $0xFFFFFFFF  }
0xa8: {  	s26 =	simm.s32 $execute0_lowered;
	[smem:$0x3FD2] =	sst s25  }
0xa9: {  	s7 =	sshll.u32 s26, $0x1;
	_ =	strace $0x80000046;
	[dreg:$0x1] =	wrdreg $0xFFFFFFFF  }
0xaa: {  	s28 =	simm.s32 $_size_execute0_lowered;
	s6 =	sadd.s32 s6, s7;
	[dreg:$0x0] =	wrdreg $0x0  }
0xab: {  	s7 =	sshll.u32 s28, $0x1;
	[dreg:$0x2] =	wrdreg s6  }
0xac: {  	[dreg:$0x3] =	wrdreg s7  }
0xad: {  	[dreg:$0x4] =	wrdreg $0xC0  }
0xae: {  	_ =	task [dreg:s10], $0x5FFFF  }
0xaf: {  	[dreg:$0x1] =	wrdreg $0xFFFFFFFF  }
0xb0: {  	[dreg:$0x0] =	wrdreg $0x60  }
0xb1: {  	[dreg:$0x2] =	wrdreg s2  }
0xb2: {  	[dreg:$0x3] =	wrdreg s19  }
0xb3: {  	[dreg:$0x4] =	wrdreg s4  }
0xb4: {  	[dreg:$0x5] =	wrdreg s5  }
0xb5: {  	[dreg:$0x6] =	wrdreg $0x4000  }
0xb6: {  	[dreg:$0x7] =	wrdreg $0x9  }
0xb7: {  	_ =	task.clear_ibuf [dreg:s10], $0x8FFFF;
	_ =	strace $0x90000046  }
0xb8: {  	s29 =	simm.s32 $0x9;
	_ =	strace $0x80000048  }
0xb9: {  	_ =	swait.ge [sflag:s29], $0x1  }
0xba: {  	[sflag:s29] =	ssyncadd.s32 $0xFFFFFFFF  }
0xbb: {  	_ =	strace $0x90000048  }
0xbc: {  	_ =	sfence  }
0xbd: {  	s30 =	sld [smem:$0x0];
	_ =	sdelay $0x2  }
0xbe: {  	s31 =	sshll.u32 s1, $0xD;
	s1 =	sshrl.u32 s1, $0x2  }
0xbf: {  	s3 =	sand.u32 $0x4000, s31;
	s1 =	sadd.s32 s1, s30  }
0xc0: {  	s0 =	sor.u32 s3, s0;
	s1 =	sshll.u32 s1, $0x11  }
0xc1: {  	s0 =	sor.u32 s1, s0  }
0xc2: {  	s0 =	sadd.s32 $0x8F2B, s0  }
0xc3: {  	[sflag:s0] =	ssyncadd.remote.s32 $0x1  }
0xc4: {  	_ =	sfence.sel $0xFFFF  }
0xc5: {  	[dreg:$0x0] =	wrdreg $0xFFFFFFFF;
	(pc) =	sbr.abs _section_cstart, $3  }
0xc6: {  	[dreg:$0x1] =	wrdreg $0xFFFFFFFF  }
0xc7: {  	_ =	task.clear_ibuf [dreg:s10], $0x2FFFF;
	_ =	strace $0x9FFFFFFF  }
0xc8: {  	(tm) =	ssettm $0x7FFFFFFF  }
0xc9: {  	_ =	shalt  }
tec
execute0_lowered:
.L_overlay_start_1:
0x0: {  	(tag) =	ssettag $0x1  }
0x1: {  	s0 =	rddreg [dreg:$0x0]  }
0x2: {  	s2 =	rddreg [dreg:$0x1]  }
0x3: {  	s1 =	rddreg [dreg:$0x2]  }
0x4: {  	s3 =	srdreg.scid;
	s4 =	rddreg [dreg:$0x3]  }
0x5: {  	s16 =	stileid.u32;
	s6 =	rddreg [dreg:$0x4]  }
0x6: {  	s31 =	simm.s32 $0x2;
	s30 =	simm.s32 $0x1;
	p0 =	por $0x0, $0x0  }
0x7: {  	s5 =	sand.u32 $0x1, s3;
	s7 =	sshll.u32 s16, $0x9;
	s3 =	simm.s32 $0x0  }
0x8: {  	s22 =	sshll.u32 s16, $0x6;
	s11 =	sadd.s32 $0x10, s0;
	s28 =	sadd.s32 $0x20, s0  }
0x9: {  	s18 =	sadd.s32 $0x20000, s4;
	s8 =	sshll.u32 s5, $0x8;
	[smem:$0x7FF] =	sst s3  }
0xa: {  	s5 =	ssub.s32 $0x2, s5;
	s7 =	sor.u32 s8, s7;
	_ =	strace $0x80000047  }
0xb: {  	s19 =	sshrl.u32 s5, $0x1;
	s8 =	sshll.u32 s7, $0x4;
	s9 =	sshrl.u32 s7, $0x1  }
0xc: {  	s7 =	sor.u32 $0x80, s7;
	s1 =	sadd.s32 s1, s8;
	s23 =	sadd.s32 s0, s9  }
0xd: {  	s10 =	sshrl.u32 s7, $0x1;
	s25 =	sadd.s32 s9, s11;
	[dreg:$0x6] =	wrdreg s1  }
0xe: {  	s29 =	sadd.s32 s9, s28;
	s14 =	sadd.s32 s4, s8;
	[dreg:$0x8] =	wrdreg s23  }
0xf: {  	s15 =	sshll.u32 s7, $0x4;
	s20 =	sadd.s32 s8, s18;
	[dreg:$0xa] =	wrdreg s25  }
0x10: {  	s7 =	simm.s32 $0x10400;
	s1 =	sor.u32 $0x1C02, s22;
	[dreg:$0xc] =	wrdreg s29  }
0x11: {  	s24 =	sadd.s32 s0, s10;
	s26 =	sadd.s32 s10, s11;
	[dreg:$0x10] =	wrdreg s14  }
0x12: {  	s12 =	sadd.s32 s10, s28;
	s0 =	sadd.s32 $0x30, s0;
	[dreg:$0x12] =	wrdreg s20  }
0x13: {  	s17 =	sadd.s32 s4, s15;
	s21 =	sadd.s32 s15, s18;
	[dreg:$0x7] =	wrdreg s1  }
0x14: {  	s22 =	sadd.s32 $0x40000, s4;
	s4 =	sadd.s32 $0x60000, s4;
	[dreg:$0x9] =	wrdreg s24  }
0x15: {  	s25 =	sshll.u32 s16, $0xF;
	s20 =	simm.s32 $0x8400;
	[dreg:$0xb] =	wrdreg s26  }
0x16: {  	s18 =	simm.s32 $0x6;
	s14 =	simm.s32 $0xA;
	[dreg:$0xd] =	wrdreg s12  }
0x17: {  	s11 =	simm.s32 $0xC;
	s13 =	sadd.s32 s9, s0;
	[dreg:$0x11] =	wrdreg s17  }
0x18: {  	s0 =	sadd.s32 s10, s0;
	s9 =	ssub.s32 s5, s19;
	[dreg:$0x13] =	wrdreg s21  }
0x19: {  	s23 =	sadd.s32 s8, s22;
	s24 =	sadd.s32 s15, s22;
	s26 =	sadd.s32 s8, s4  }
0x1a: {  	s28 =	sadd.s32 s15, s4;
	s4 =	simm.s32 $0x80;
	s15 =	simm.s32 $0xC400  }
0x1b: {  	s22 =	simm.s32 $0x5;
	s19 =	simm.s32 $0x8;
	[dreg:$0xe] =	wrdreg s13  }
0x1c: {  	s17 =	simm.s32 $0x9;
	[dreg:$0xf] =	wrdreg s0;
	s29 =	smax.u32 s9, $0x1  }
0x1d: {  	s12 =	simm.s32 $0xB;
	[dreg:$0x14] =	wrdreg s23;
	p1 =	sne.s32 s29, $0x1  }
.Ltmp0:
0x1e: {  	s10 =	simm.s32 $0xD;
	[dreg:$0x15] =	wrdreg s24;
	(pc) =	sbr.rel @!p1 .LBB2_5-.Ltmp0, $4  }
0x1f: {  	s8 =	simm.s32 $0xE;
	s13 =	sadd.s32 s25, s6;
	[dreg:$0x16] =	wrdreg s26  }
0x20: {  	[dreg:$0x17] =	wrdreg s28;
	s6 =	simm.s32 $0x14400;
	s26 =	simm.s32 $0x3  }
0x21: {  	s24 =	simm.s32 $0x4;
	s23 =	simm.s32 $0x7;
	s9 =	rddreg [dreg:$0x7]  }
0x22: {  	s5 =	sadd.s32 $0x4000, s13;
	s0 =	sadd.s32 $0xFFFFFFFF, s29;
	s1 =	sshrl.u32 s13, $0x3  }
0x23: {  	s29 =	rddreg [dreg:$0x6]  }
0x24: {  	[spmem:s1], [sflag:s9] =	dma.local [hbm:s29], $0x1000  }
0x25: {  	[dreg:$0x18] =	wrdreg s1  }
0x26: {  	s16 =	smov.u32 s0;
	s0 =	rddreg [dreg:$0x8]  }
0x27: {  	[tilespmem:s3], [sflag:$0x1] =	stream.linear.gather [hbm4b:s0+s3], $0x80, $0x38;
	[tilespmem:$0x18400] =	vst v63  }
0x28: {  	s9 =	rddreg [dreg:$0x9]  }
0x29: {  	[tilespmem:s4], [sflag:$0x1] =	stream.linear.gather [hbm4b:s9+s3], $0x80, $0x38;
	[tilespmem:$0x18400] =	vst v63  }
0x2a: {  	s28 =	simm.s32 $0x100;
	s21 =	rddreg [dreg:$0xa]  }
0x2b: {  	[tilespmem:s28], [sflag:$0x1] =	stream.linear.gather [hbm4b:s21+s3], $0x80, $0x38;
	[tilespmem:$0x18400] =	vst v63  }
0x2c: {  	s25 =	rddreg [dreg:$0xb];
	s21 =	simm.s32 $0x180  }
0x2d: {  	[tilespmem:s21], [sflag:$0x1] =	stream.linear.gather [hbm4b:s25+s3], $0x80, $0x38;
	[tilespmem:$0x18400] =	vst v63  }
0x2e: {  	s29 =	rddreg [dreg:$0xc];
	s25 =	simm.s32 $0x200  }
0x2f: {  	[tilespmem:s25], [sflag:$0x1] =	stream.linear.gather [hbm4b:s29+s3], $0x80, $0x38;
	[tilespmem:$0x18400] =	vst v63  }
0x30: {  	s9 =	rddreg [dreg:$0xd];
	s29 =	simm.s32 $0x280  }
0x31: {  	[tilespmem:s29], [sflag:$0x1] =	stream.linear.gather [hbm4b:s9+s3], $0x80, $0x38;
	[tilespmem:$0x18400] =	vst v63  }
0x32: {  	s1 =	simm.s32 $0x300;
	s0 =	rddreg [dreg:$0xe]  }
0x33: {  	[tilespmem:s1], [sflag:$0x1] =	stream.linear.gather [hbm4b:s0+s3], $0x80, $0x38;
	[tilespmem:$0x18400] =	vst v63  }
0x34: {  	s9 =	rddreg [dreg:$0xf];
	s0 =	simm.s32 $0x380  }
0x35: {  	[tilespmem:s0], [sflag:$0x1] =	stream.linear.gather [hbm4b:s9+s3], $0x80, $0x38;
	[tilespmem:$0x18400] =	vst v63  }
0x36: {  	_ =	swait.ge [sflag:s31], $0x1000  }
0x37: {  	[sflag:s31] =	ssyncset.done $0x0  }
0x38: {  	[sflag:s31] =	ssyncadd.s32 $0xFFFFF000  }
0x39: {  	[tilespmem:s20], [sflag:$0x3] =	stream.linear.gather [spmem:s13], $0x4000, $0x38;
	[tilespmem:$0x18400] =	vst v63  }
0x3a: {  	_ = 	snop  }
0x3b: {  	[tilespmem:s15], [sflag:$0x4] =	stream.linear.gather [spmem:s5], $0x4000, $0x38;
	[tilespmem:$0x18400] =	vst v63  }
0x3c: {  	_ = 	snop  }
0x3d: {  	[tilespmem:s7], [sflag:$0x5] =	stream.linear.gather [spmem:s13], $0x4000, $0x38;
	[tilespmem:$0x18400] =	vst v63  }
0x3e: {  	_ = 	snop  }
0x3f: {  	[tilespmem:s6], [sflag:$0x6] =	stream.linear.gather [spmem:s5], $0x4000, $0x38;
	[tilespmem:$0x18400] =	vst v63  }
0x40: {  	_ =	swait.ge [sflag:s30], $0x80  }
0x41: {  	[sflag:s30] =	ssyncset.done $0x0  }
0x42: {  	[sflag:s30] =	ssyncadd.s32 $0xFFFFFF80  }
0x43: {  	_ =	swait.ge [sflag:s30], $0x80  }
0x44: {  	[sflag:s30] =	ssyncset.done $0x0  }
0x45: {  	[sflag:s30] =	ssyncadd.s32 $0xFFFFFF80  }
0x46: {  	_ =	swait.ge [sflag:s30], $0x80  }
0x47: {  	[sflag:s30] =	ssyncset.done $0x0  }
0x48: {  	[sflag:s30] =	ssyncadd.s32 $0xFFFFFF80  }
0x49: {  	_ =	swait.ge [sflag:s30], $0x80  }
0x4a: {  	[sflag:s30] =	ssyncset.done $0x0  }
0x4b: {  	[sflag:s30] =	ssyncadd.s32 $0xFFFFFF80  }
0x4c: {  	_ =	swait.ge [sflag:s30], $0x80  }
0x4d: {  	[sflag:s30] =	ssyncset.done $0x0  }
0x4e: {  	[sflag:s30] =	ssyncadd.s32 $0xFFFFFF80  }
0x4f: {  	_ =	swait.ge [sflag:s30], $0x80  }
0x50: {  	[sflag:s30] =	ssyncset.done $0x0  }
0x51: {  	[sflag:s30] =	ssyncadd.s32 $0xFFFFFF80  }
0x52: {  	_ =	swait.ge [sflag:s30], $0x80  }
0x53: {  	[sflag:s30] =	ssyncset.done $0x0  }
0x54: {  	[sflag:s30] =	ssyncadd.s32 $0xFFFFFF80  }
0x55: {  	_ =	swait.ge [sflag:s30], $0x80  }
0x56: {  	[sflag:s30] =	ssyncset.done $0x0  }
0x57: {  	[sflag:s30] =	ssyncadd.s32 $0xFFFFFF80  }
0x58: {  	_ =	swait.ge [sflag:s26], $0x4000  }
0x59: {  	[sflag:s26] =	ssyncset.done $0x0  }
0x5a: {  	[sflag:s26] =	ssyncadd.s32 $0xFFFFC000  }
0x5b: {  	[tilespmem:s20], [sflag:$0x7] =	stream.indirect.gather.add.f32 [hbm:s2], $0x80, s3, s4, $0xb8;
	[tilespmem:$0x18400] =	vst v63  }
0x5c: {  	_ =	swait.ge [sflag:s24], $0x4000  }
0x5d: {  	[sflag:s24] =	ssyncset.done $0x0  }
0x5e: {  	[sflag:s24] =	ssyncadd.s32 $0xFFFFC000  }
0x5f: {  	[tilespmem:s15], [sflag:$0x8] =	stream.indirect.gather.add.f32 [hbm:s2], $0x80, s4, s4, $0xb8;
	[tilespmem:$0x18400] =	vst v63  }
0x60: {  	_ =	swait.ge [sflag:s23], $0x4000  }
0x61: {  	[sflag:s23] =	ssyncset.done $0x0  }
0x62: {  	s31 =	rddreg [dreg:$0x10];
	[sflag:s23] =	ssyncadd.s32 $0xFFFFC000  }
0x63: {  	[hbm4b:s31+s3] =	stream.linear.scatter [tilespmem:s20], [sflag:$0xB], $0x4000, $0x38;
	[tilespmem:$0x18400] =	vst v63  }
0x64: {  	_ =	swait.ge [sflag:s22], $0x4000  }
0x65: {  	[sflag:s22] =	ssyncset.done $0x0  }
0x66: {  	[sflag:s22] =	ssyncadd.s32 $0xFFFFC000  }
0x67: {  	[tilespmem:s7], [sflag:$0x9] =	stream.indirect.gather.add.f32 [hbm:s2], $0x80, s28, s4, $0xb8;
	[tilespmem:$0x18400] =	vst v63  }
0x68: {  	_ =	swait.ge [sflag:s19], $0x4000  }
0x69: {  	[sflag:s19] =	ssyncset.done $0x0  }
0x6a: {  	s28 =	rddreg [dreg:$0x11];
	[sflag:s19] =	ssyncadd.s32 $0xFFFFC000  }
0x6b: {  	[hbm4b:s28+s3] =	stream.linear.scatter [tilespmem:s15], [sflag:$0xC], $0x4000, $0x38;
	[tilespmem:$0x18400] =	vst v63  }
0x6c: {  	_ =	swait.ge [sflag:s18], $0x4000  }
0x6d: {  	[sflag:s18] =	ssyncset.done $0x0  }
0x6e: {  	[sflag:s18] =	ssyncadd.s32 $0xFFFFC000  }
0x6f: {  	[tilespmem:s6], [sflag:$0xA] =	stream.indirect.gather.add.f32 [hbm:s2], $0x80, s21, s4, $0xb8;
	[tilespmem:$0x18400] =	vst v63  }
0x70: {  	_ =	swait.ge [sflag:s17], $0x4000  }
0x71: {  	[sflag:s17] =	ssyncset.done $0x0  }
0x72: {  	s31 =	rddreg [dreg:$0x12];
	[sflag:s17] =	ssyncadd.s32 $0xFFFFC000  }
0x73: {  	[hbm4b:s31+s3] =	stream.linear.scatter [tilespmem:s7], [sflag:$0xD], $0x4000, $0x38;
	[tilespmem:$0x18400] =	vst v63  }
0x74: {  	_ =	swait.ge [sflag:s12], $0x4000  }
0x75: {  	[sflag:s12] =	ssyncset.done $0x0  }
0x76: {  	[sflag:s12] =	ssyncadd.s32 $0xFFFFC000  }
0x77: {  	[tilespmem:s20], [sflag:$0x3] =	stream.linear.gather [spmem:s13], $0x4000, $0x38;
	[tilespmem:$0x18400] =	vst v63  }
0x78: {  	_ =	swait.ge [sflag:s26], $0x4000  }
0x79: {  	[sflag:s26] =	ssyncset.done $0x0  }
0x7a: {  	[sflag:s26] =	ssyncadd.s32 $0xFFFFC000  }
0x7b: {  	[tilespmem:s20], [sflag:$0x7] =	stream.indirect.gather.add.f32 [hbm:s2], $0x80, s25, s4, $0xb8;
	[tilespmem:$0x18400] =	vst v63  }
0x7c: {  	_ =	swait.ge [sflag:s14], $0x4000  }
0x7d: {  	[sflag:s14] =	ssyncset.done $0x0  }
0x7e: {  	s21 =	rddreg [dreg:$0x13];
	[sflag:s14] =	ssyncadd.s32 $0xFFFFC000  }
0x7f: {  	[hbm4b:s21+s3] =	stream.linear.scatter [tilespmem:s6], [sflag:$0xE], $0x4000, $0x38;
	[tilespmem:$0x18400] =	vst v63  }
0x80: {  	_ =	swait.ge [sflag:s11], $0x4000  }
0x81: {  	[sflag:s11] =	ssyncset.done $0x0  }
0x82: {  	[sflag:s11] =	ssyncadd.s32 $0xFFFFC000  }
0x83: {  	[tilespmem:s15], [sflag:$0x4] =	stream.linear.gather [spmem:s5], $0x4000, $0x38;
	[tilespmem:$0x18400] =	vst v63  }
0x84: {  	_ =	swait.ge [sflag:s24], $0x4000  }
0x85: {  	[sflag:s24] =	ssyncset.done $0x0  }
0x86: {  	[sflag:s24] =	ssyncadd.s32 $0xFFFFC000  }
0x87: {  	[tilespmem:s15], [sflag:$0x8] =	stream.indirect.gather.add.f32 [hbm:s2], $0x80, s29, s4, $0xb8;
	[tilespmem:$0x18400] =	vst v63  }
0x88: {  	_ =	swait.ge [sflag:s23], $0x4000  }
0x89: {  	[sflag:s23] =	ssyncset.done $0x0  }
0x8a: {  	s25 =	rddreg [dreg:$0x14];
	[sflag:s23] =	ssyncadd.s32 $0xFFFFC000  }
0x8b: {  	[hbm4b:s25+s3] =	stream.linear.scatter [tilespmem:s20], [sflag:$0xB], $0x4000, $0x38;
	[tilespmem:$0x18400] =	vst v63  }
0x8c: {  	_ =	swait.ge [sflag:s10], $0x4000  }
0x8d: {  	[sflag:s10] =	ssyncset.done $0x0  }
0x8e: {  	[sflag:s10] =	ssyncadd.s32 $0xFFFFC000  }
0x8f: {  	[tilespmem:s7], [sflag:$0x5] =	stream.linear.gather [spmem:s13], $0x4000, $0x38;
	[tilespmem:$0x18400] =	vst v63  }
0x90: {  	_ =	swait.ge [sflag:s22], $0x4000  }
0x91: {  	[sflag:s22] =	ssyncset.done $0x0  }
0x92: {  	[sflag:s22] =	ssyncadd.s32 $0xFFFFC000  }
0x93: {  	[tilespmem:s7], [sflag:$0x9] =	stream.indirect.gather.add.f32 [hbm:s2], $0x80, s1, s4, $0xb8;
	[tilespmem:$0x18400] =	vst v63  }
0x94: {  	_ =	swait.ge [sflag:s19], $0x4000  }
0x95: {  	[sflag:s19] =	ssyncset.done $0x0  }
0x96: {  	s28 =	rddreg [dreg:$0x15];
	[sflag:s19] =	ssyncadd.s32 $0xFFFFC000  }
0x97: {  	[hbm4b:s28+s3] =	stream.linear.scatter [tilespmem:s15], [sflag:$0xC], $0x4000, $0x38;
	[tilespmem:$0x18400] =	vst v63  }
0x98: {  	_ =	swait.ge [sflag:s8], $0x4000  }
0x99: {  	[sflag:s8] =	ssyncset.done $0x0  }
0x9a: {  	[sflag:s8] =	ssyncadd.s32 $0xFFFFC000  }
0x9b: {  	[tilespmem:s6], [sflag:$0x6] =	stream.linear.gather [spmem:s5], $0x4000, $0x38;
	[tilespmem:$0x18400] =	vst v63  }
0x9c: {  	_ =	swait.ge [sflag:s18], $0x4000  }
0x9d: {  	[sflag:s18] =	ssyncset.done $0x0  }
0x9e: {  	s9 =	simm.s32 $0x380;
	[sflag:s18] =	ssyncadd.s32 $0xFFFFC000  }
0x9f: {  	[tilespmem:s6], [sflag:$0xA] =	stream.indirect.gather.add.f32 [hbm:s2], $0x80, s9, s4, $0xb8;
	[tilespmem:$0x18400] =	vst v63  }
0xa0: {  	_ =	swait.ge [sflag:s17], $0x4000  }
0xa1: {  	[sflag:s17] =	ssyncset.done $0x0  }
0xa2: {  	s29 =	rddreg [dreg:$0x16];
	[sflag:s17] =	ssyncadd.s32 $0xFFFFC000  }
0xa3: {  	[hbm4b:s29+s3] =	stream.linear.scatter [tilespmem:s7], [sflag:$0xD], $0x4000, $0x38;
	[tilespmem:$0x18400] =	vst v63  }
0xa4: {  	_ =	swait.ge [sflag:s14], $0x4000  }
0xa5: {  	[sflag:s14] =	ssyncset.done $0x0  }
0xa6: {  	s31 =	rddreg [dreg:$0x17];
	[sflag:s14] =	ssyncadd.s32 $0xFFFFC000  }
0xa7: {  	[hbm4b:s31+s3] =	stream.linear.scatter [tilespmem:s6], [sflag:$0xE], $0x4000, $0x38;
	[tilespmem:$0x18400] =	vst v63  }
0xa8: {  	_ =	swait.ge [sflag:s12], $0x4000  }
0xa9: {  	[sflag:s12] =	ssyncset.done $0x0  }
0xaa: {  	[sflag:s12] =	ssyncadd.s32 $0xFFFFC000  }
0xab: {  	_ =	swait.ge [sflag:s11], $0x4000  }
0xac: {  	[sflag:s11] =	ssyncset.done $0x0  }
0xad: {  	p1 =	sne.s32 s16, $0x1;
	[sflag:s11] =	ssyncadd.s32 $0xFFFFC000  }
.Ltmp1:
0xae: {  	_ =	swait.ge [sflag:s10], $0x4000;
	(pc) =	sbr.rel @!p1 .LBB2_6-.Ltmp1, $4  }
0xaf: {  	[sflag:s10] =	ssyncset.done $0x0  }
0xb0: {  	[sflag:s10] =	ssyncadd.s32 $0xFFFFC000  }
0xb1: {  	p0 =	por $0x1, $0x1;
	_ =	swait.ge [sflag:s8], $0x4000  }
0xb2: {  	s0 =	sadd.s32 $0xFFFFFFFF, s16;
	s9 =	rddreg [dreg:$0x7];
	[sflag:s8] =	ssyncset.done $0x0  }
0xb3: {  	s29 =	simm.s32 $0x100;
	s28 =	simm.s32 $0x180  }
0xb4: {  	s25 =	simm.s32 $0x200;
	s21 =	simm.s32 $0x280;
	s31 =	simm.s32 $0x380  }
.LBB2_3:
0xb5: {  	s16 =	rddreg [dreg:$0x6]  }
0xb6: {  	[sflag:s8] =	ssyncadd.s32 $0xFFFFC000;
	s1 =	rddreg [dreg:$0x18]  }
0xb7: {  	[spmem:s1], [sflag:s9] =	dma.local [hbm:s16], $0x1000  }
0xb8: {  	s9 =	rddreg [dreg:$0x8]  }
0xb9: {  	[tilespmem:s3], [sflag:$0x1] =	stream.linear.gather [hbm4b:s9+s3], $0x80, $0x38;
	[tilespmem:$0x18400] =	vst v63  }
0xba: {  	s16 =	rddreg [dreg:$0x9]  }
0xbb: {  	[tilespmem:s4], [sflag:$0x1] =	stream.linear.gather [hbm4b:s16+s3], $0x80, $0x38;
	[tilespmem:$0x18400] =	vst v63  }
0xbc: {  	s9 =	rddreg [dreg:$0xa]  }
0xbd: {  	[tilespmem:s29], [sflag:$0x1] =	stream.linear.gather [hbm4b:s9+s3], $0x80, $0x38;
	[tilespmem:$0x18400] =	vst v63  }
0xbe: {  	s1 =	rddreg [dreg:$0xb]  }
0xbf: {  	[tilespmem:s28], [sflag:$0x1] =	stream.linear.gather [hbm4b:s1+s3], $0x80, $0x38;
	[tilespmem:$0x18400] =	vst v63  }
0xc0: {  	s9 =	rddreg [dreg:$0xc]  }
0xc1: {  	[tilespmem:s25], [sflag:$0x1] =	stream.linear.gather [hbm4b:s9+s3], $0x80, $0x38;
	[tilespmem:$0x18400] =	vst v63  }
0xc2: {  	s1 =	rddreg [dreg:$0xd]  }
0xc3: {  	[tilespmem:s21], [sflag:$0x1] =	stream.linear.gather [hbm4b:s1+s3], $0x80, $0x38;
	[tilespmem:$0x18400] =	vst v63  }
0xc4: {  	s9 =	rddreg [dreg:$0xe];
	s1 =	simm.s32 $0x300  }
0xc5: {  	[tilespmem:s1], [sflag:$0x1] =	stream.linear.gather [hbm4b:s9+s3], $0x80, $0x38;
	[tilespmem:$0x18400] =	vst v63  }
0xc6: {  	s16 =	rddreg [dreg:$0xf]  }
0xc7: {  	[tilespmem:s31], [sflag:$0x1] =	stream.linear.gather [hbm4b:s16+s3], $0x80, $0x38;
	[tilespmem:$0x18400] =	vst v63  }
0xc8: {  	s16 =	simm.s32 $0x2  }
0xc9: {  	_ =	swait.ge [sflag:s16], $0x1000  }
0xca: {  	[sflag:s16] =	ssyncset.done $0x0  }
0xcb: {  	[sflag:s16] =	ssyncadd.s32 $0xFFFFF000  }
0xcc: {  	[tilespmem:s20], [sflag:$0x3] =	stream.linear.gather [spmem:s13], $0x4000, $0x38;
	[tilespmem:$0x18400] =	vst v63  }
0xcd: {  	_ = 	snop  }
0xce: {  	[tilespmem:s15], [sflag:$0x4] =	stream.linear.gather [spmem:s5], $0x4000, $0x38;
	[tilespmem:$0x18400] =	vst v63  }
0xcf: {  	_ = 	snop  }
0xd0: {  	[tilespmem:s7], [sflag:$0x5] =	stream.linear.gather [spmem:s13], $0x4000, $0x38;
	[tilespmem:$0x18400] =	vst v63  }
0xd1: {  	_ = 	snop  }
0xd2: {  	[tilespmem:s6], [sflag:$0x6] =	stream.linear.gather [spmem:s5], $0x4000, $0x38;
	[tilespmem:$0x18400] =	vst v63  }
0xd3: {  	_ =	swait.ge [sflag:s30], $0x80  }
0xd4: {  	[sflag:s30] =	ssyncset.done $0x0  }
0xd5: {  	[sflag:s30] =	ssyncadd.s32 $0xFFFFFF80  }
0xd6: {  	_ =	swait.ge [sflag:s30], $0x80  }
0xd7: {  	[sflag:s30] =	ssyncset.done $0x0  }
0xd8: {  	[sflag:s30] =	ssyncadd.s32 $0xFFFFFF80  }
0xd9: {  	_ =	swait.ge [sflag:s30], $0x80  }
0xda: {  	[sflag:s30] =	ssyncset.done $0x0  }
0xdb: {  	[sflag:s30] =	ssyncadd.s32 $0xFFFFFF80  }
0xdc: {  	_ =	swait.ge [sflag:s30], $0x80  }
0xdd: {  	[sflag:s30] =	ssyncset.done $0x0  }
0xde: {  	[sflag:s30] =	ssyncadd.s32 $0xFFFFFF80  }
0xdf: {  	_ =	swait.ge [sflag:s30], $0x80  }
0xe0: {  	[sflag:s30] =	ssyncset.done $0x0  }
0xe1: {  	[sflag:s30] =	ssyncadd.s32 $0xFFFFFF80  }
0xe2: {  	_ =	swait.ge [sflag:s30], $0x80  }
0xe3: {  	[sflag:s30] =	ssyncset.done $0x0  }
0xe4: {  	[sflag:s30] =	ssyncadd.s32 $0xFFFFFF80  }
0xe5: {  	_ =	swait.ge [sflag:s30], $0x80  }
0xe6: {  	[sflag:s30] =	ssyncset.done $0x0  }
0xe7: {  	[sflag:s30] =	ssyncadd.s32 $0xFFFFFF80  }
0xe8: {  	_ =	swait.ge [sflag:s30], $0x80  }
0xe9: {  	[sflag:s30] =	ssyncset.done $0x0  }
0xea: {  	[sflag:s30] =	ssyncadd.s32 $0xFFFFFF80  }
0xeb: {  	_ =	swait.ge [sflag:s26], $0x4000  }
0xec: {  	[sflag:s26] =	ssyncset.done $0x0  }
0xed: {  	[sflag:s26] =	ssyncadd.s32 $0xFFFFC000  }
0xee: {  	[tilespmem:s20], [sflag:$0x7] =	stream.indirect.gather.add.f32 [hbm:s2], $0x80, s3, s4, $0xb8;
	[tilespmem:$0x18400] =	vst v63  }
0xef: {  	_ =	swait.ge [sflag:s24], $0x4000  }
0xf0: {  	[sflag:s24] =	ssyncset.done $0x0  }
0xf1: {  	[sflag:s24] =	ssyncadd.s32 $0xFFFFC000  }
0xf2: {  	[tilespmem:s15], [sflag:$0x8] =	stream.indirect.gather.add.f32 [hbm:s2], $0x80, s4, s4, $0xb8;
	[tilespmem:$0x18400] =	vst v63  }
0xf3: {  	_ =	swait.ge [sflag:s23], $0x4000  }
0xf4: {  	[sflag:s23] =	ssyncset.done $0x0  }
0xf5: {  	s16 =	rddreg [dreg:$0x10];
	[sflag:s23] =	ssyncadd.s32 $0xFFFFC000  }
0xf6: {  	[hbm4b:s16+s3] =	stream.linear.scatter [tilespmem:s20], [sflag:$0xB], $0x4000, $0x38;
	[tilespmem:$0x18400] =	vst v63  }
0xf7: {  	_ =	swait.ge [sflag:s22], $0x4000  }
0xf8: {  	[sflag:s22] =	ssyncset.done $0x0  }
0xf9: {  	[sflag:s22] =	ssyncadd.s32 $0xFFFFC000  }
0xfa: {  	[tilespmem:s7], [sflag:$0x9] =	stream.indirect.gather.add.f32 [hbm:s2], $0x80, s29, s4, $0xb8;
	[tilespmem:$0x18400] =	vst v63  }
0xfb: {  	_ =	swait.ge [sflag:s19], $0x4000  }
0xfc: {  	[sflag:s19] =	ssyncset.done $0x0  }
0xfd: {  	s16 =	rddreg [dreg:$0x11];
	[sflag:s19] =	ssyncadd.s32 $0xFFFFC000  }
0xfe: {  	[hbm4b:s16+s3] =	stream.linear.scatter [tilespmem:s15], [sflag:$0xC], $0x4000, $0x38;
	[tilespmem:$0x18400] =	vst v63  }
0xff: {  	_ =	swait.ge [sflag:s18], $0x4000  }
0x100: {  	[sflag:s18] =	ssyncset.done $0x0  }
0x101: {  	[sflag:s18] =	ssyncadd.s32 $0xFFFFC000  }
0x102: {  	[tilespmem:s6], [sflag:$0xA] =	stream.indirect.gather.add.f32 [hbm:s2], $0x80, s28, s4, $0xb8;
	[tilespmem:$0x18400] =	vst v63  }
0x103: {  	_ =	swait.ge [sflag:s17], $0x4000  }
0x104: {  	[sflag:s17] =	ssyncset.done $0x0  }
0x105: {  	s16 =	rddreg [dreg:$0x12];
	[sflag:s17] =	ssyncadd.s32 $0xFFFFC000  }
0x106: {  	[hbm4b:s16+s3] =	stream.linear.scatter [tilespmem:s7], [sflag:$0xD], $0x4000, $0x38;
	[tilespmem:$0x18400] =	vst v63  }
0x107: {  	_ =	swait.ge [sflag:s12], $0x4000  }
0x108: {  	[sflag:s12] =	ssyncset.done $0x0  }
0x109: {  	[sflag:s12] =	ssyncadd.s32 $0xFFFFC000  }
0x10a: {  	[tilespmem:s20], [sflag:$0x3] =	stream.linear.gather [spmem:s13], $0x4000, $0x38;
	[tilespmem:$0x18400] =	vst v63  }
0x10b: {  	_ =	swait.ge [sflag:s26], $0x4000  }
0x10c: {  	[sflag:s26] =	ssyncset.done $0x0  }
0x10d: {  	[sflag:s26] =	ssyncadd.s32 $0xFFFFC000  }
0x10e: {  	[tilespmem:s20], [sflag:$0x7] =	stream.indirect.gather.add.f32 [hbm:s2], $0x80, s25, s4, $0xb8;
	[tilespmem:$0x18400] =	vst v63  }
0x10f: {  	_ =	swait.ge [sflag:s14], $0x4000  }
0x110: {  	[sflag:s14] =	ssyncset.done $0x0  }
0x111: {  	s16 =	rddreg [dreg:$0x13];
	[sflag:s14] =	ssyncadd.s32 $0xFFFFC000  }
0x112: {  	[hbm4b:s16+s3] =	stream.linear.scatter [tilespmem:s6], [sflag:$0xE], $0x4000, $0x38;
	[tilespmem:$0x18400] =	vst v63  }
0x113: {  	_ =	swait.ge [sflag:s11], $0x4000  }
0x114: {  	[sflag:s11] =	ssyncset.done $0x0  }
0x115: {  	[sflag:s11] =	ssyncadd.s32 $0xFFFFC000  }
0x116: {  	[tilespmem:s15], [sflag:$0x4] =	stream.linear.gather [spmem:s5], $0x4000, $0x38;
	[tilespmem:$0x18400] =	vst v63  }
0x117: {  	_ =	swait.ge [sflag:s24], $0x4000  }
0x118: {  	[sflag:s24] =	ssyncset.done $0x0  }
0x119: {  	[sflag:s24] =	ssyncadd.s32 $0xFFFFC000  }
0x11a: {  	[tilespmem:s15], [sflag:$0x8] =	stream.indirect.gather.add.f32 [hbm:s2], $0x80, s21, s4, $0xb8;
	[tilespmem:$0x18400] =	vst v63  }
0x11b: {  	_ =	swait.ge [sflag:s23], $0x4000  }
0x11c: {  	[sflag:s23] =	ssyncset.done $0x0  }
0x11d: {  	s16 =	rddreg [dreg:$0x14];
	[sflag:s23] =	ssyncadd.s32 $0xFFFFC000  }
0x11e: {  	[hbm4b:s16+s3] =	stream.linear.scatter [tilespmem:s20], [sflag:$0xB], $0x4000, $0x38;
	[tilespmem:$0x18400] =	vst v63  }
0x11f: {  	_ =	swait.ge [sflag:s10], $0x4000  }
0x120: {  	[sflag:s10] =	ssyncset.done $0x0  }
0x121: {  	[sflag:s10] =	ssyncadd.s32 $0xFFFFC000  }
0x122: {  	[tilespmem:s7], [sflag:$0x5] =	stream.linear.gather [spmem:s13], $0x4000, $0x38;
	[tilespmem:$0x18400] =	vst v63  }
0x123: {  	_ =	swait.ge [sflag:s22], $0x4000  }
0x124: {  	[sflag:s22] =	ssyncset.done $0x0  }
0x125: {  	[sflag:s22] =	ssyncadd.s32 $0xFFFFC000  }
0x126: {  	[tilespmem:s7], [sflag:$0x9] =	stream.indirect.gather.add.f32 [hbm:s2], $0x80, s1, s4, $0xb8;
	[tilespmem:$0x18400] =	vst v63  }
0x127: {  	_ =	swait.ge [sflag:s19], $0x4000  }
0x128: {  	[sflag:s19] =	ssyncset.done $0x0  }
0x129: {  	s16 =	rddreg [dreg:$0x15];
	[sflag:s19] =	ssyncadd.s32 $0xFFFFC000  }
0x12a: {  	[hbm4b:s16+s3] =	stream.linear.scatter [tilespmem:s15], [sflag:$0xC], $0x4000, $0x38;
	[tilespmem:$0x18400] =	vst v63  }
0x12b: {  	_ =	swait.ge [sflag:s8], $0x4000  }
0x12c: {  	[sflag:s8] =	ssyncset.done $0x0  }
0x12d: {  	[sflag:s8] =	ssyncadd.s32 $0xFFFFC000  }
0x12e: {  	[tilespmem:s6], [sflag:$0x6] =	stream.linear.gather [spmem:s5], $0x4000, $0x38;
	[tilespmem:$0x18400] =	vst v63  }
0x12f: {  	_ =	swait.ge [sflag:s18], $0x4000  }
0x130: {  	[sflag:s18] =	ssyncset.done $0x0  }
0x131: {  	[sflag:s18] =	ssyncadd.s32 $0xFFFFC000  }
0x132: {  	[tilespmem:s6], [sflag:$0xA] =	stream.indirect.gather.add.f32 [hbm:s2], $0x80, s31, s4, $0xb8;
	[tilespmem:$0x18400] =	vst v63  }
0x133: {  	_ =	swait.ge [sflag:s17], $0x4000  }
0x134: {  	[sflag:s17] =	ssyncset.done $0x0  }
0x135: {  	s1 =	rddreg [dreg:$0x16];
	[sflag:s17] =	ssyncadd.s32 $0xFFFFC000  }
0x136: {  	[hbm4b:s1+s3] =	stream.linear.scatter [tilespmem:s7], [sflag:$0xD], $0x4000, $0x38;
	[tilespmem:$0x18400] =	vst v63  }
0x137: {  	_ =	swait.ge [sflag:s14], $0x4000  }
0x138: {  	[sflag:s14] =	ssyncset.done $0x0  }
0x139: {  	s16 =	rddreg [dreg:$0x17];
	[sflag:s14] =	ssyncadd.s32 $0xFFFFC000  }
0x13a: {  	[hbm4b:s16+s3] =	stream.linear.scatter [tilespmem:s6], [sflag:$0xE], $0x4000, $0x38;
	[tilespmem:$0x18400] =	vst v63  }
0x13b: {  	_ =	swait.ge [sflag:s12], $0x4000  }
0x13c: {  	[sflag:s12] =	ssyncset.done $0x0  }
0x13d: {  	[sflag:s12] =	ssyncadd.s32 $0xFFFFC000  }
0x13e: {  	_ =	swait.ge [sflag:s11], $0x4000  }
0x13f: {  	[sflag:s11] =	ssyncset.done $0x0  }
0x140: {  	p1 =	sne.s32 s0, $0x1;
	[sflag:s11] =	ssyncadd.s32 $0xFFFFC000  }
.Ltmp2:
0x141: {  	_ =	swait.ge [sflag:s10], $0x4000;
	(pc) =	sbr.rel @p1 .LBB2_3-.Ltmp2, $4  }
0x142: {  	[sflag:s10] =	ssyncset.done $0x0  }
0x143: {  	[sflag:s10] =	ssyncadd.s32 $0xFFFFC000  }
0x144: {  	_ =	swait.ge [sflag:s8], $0x4000  }
0x145: {  	s0 =	sadd.s32 $0xFFFFFFFF, s0;
	s9 =	rddreg [dreg:$0x7];
	[sflag:s8] =	ssyncset.done $0x0  }
0x146: {  	s16 =	stileid.u32;
	s31 =	simm.s32 $0x2;
	s1 =	rddreg [dreg:$0x18]  }
.LBB2_5:
0x147: {  	s0 =	rddreg [dreg:$0x6];
	[sflag:s8] =	ssyncadd.s32 @p0 $0xFFFFC000  }
0x148: {  	[spmem:s1], [sflag:s9] =	dma.local [hbm:s0], $0x1000  }
0x149: {  	s0 =	rddreg [dreg:$0x8]  }
0x14a: {  	[tilespmem:s3], [sflag:$0x1] =	stream.linear.gather [hbm4b:s0+s3], $0x80, $0x38;
	[tilespmem:$0x18400] =	vst v63  }
0x14b: {  	s1 =	rddreg [dreg:$0x9]  }
0x14c: {  	[tilespmem:s4], [sflag:$0x1] =	stream.linear.gather [hbm4b:s1+s3], $0x80, $0x38;
	[tilespmem:$0x18400] =	vst v63  }
0x14d: {  	s9 =	simm.s32 $0x100;
	s29 =	rddreg [dreg:$0xa]  }
0x14e: {  	[tilespmem:s9], [sflag:$0x1] =	stream.linear.gather [hbm4b:s29+s3], $0x80, $0x38;
	[tilespmem:$0x18400] =	vst v63  }
0x14f: {  	s21 =	rddreg [dreg:$0xb];
	s29 =	simm.s32 $0x180  }
0x150: {  	[tilespmem:s29], [sflag:$0x1] =	stream.linear.gather [hbm4b:s21+s3], $0x80, $0x38;
	[tilespmem:$0x18400] =	vst v63  }
0x151: {  	s28 =	simm.s32 $0x200;
	s25 =	rddreg [dreg:$0xc]  }
0x152: {  	[tilespmem:s28], [sflag:$0x1] =	stream.linear.gather [hbm4b:s25+s3], $0x80, $0x38;
	[tilespmem:$0x18400] =	vst v63  }
0x153: {  	s21 =	rddreg [dreg:$0xd];
	s25 =	simm.s32 $0x280  }
0x154: {  	[tilespmem:s25], [sflag:$0x1] =	stream.linear.gather [hbm4b:s21+s3], $0x80, $0x38;
	[tilespmem:$0x18400] =	vst v63  }
0x155: {  	s0 =	rddreg [dreg:$0xe];
	s21 =	simm.s32 $0x300  }
0x156: {  	[tilespmem:s21], [sflag:$0x1] =	stream.linear.gather [hbm4b:s0+s3], $0x80, $0x38;
	[tilespmem:$0x18400] =	vst v63  }
0x157: {  	s1 =	rddreg [dreg:$0xf];
	s0 =	simm.s32 $0x380  }
0x158: {  	[tilespmem:s0], [sflag:$0x1] =	stream.linear.gather [hbm4b:s1+s3], $0x80, $0x38;
	[tilespmem:$0x18400] =	vst v63  }
0x159: {  	_ =	swait.ge [sflag:s31], $0x1000  }
0x15a: {  	[sflag:s31] =	ssyncset.done $0x0  }
0x15b: {  	[sflag:s31] =	ssyncadd.s32 $0xFFFFF000  }
0x15c: {  	[tilespmem:s20], [sflag:$0x3] =	stream.linear.gather [spmem:s13], $0x4000, $0x38;
	[tilespmem:$0x18400] =	vst v63  }
0x15d: {  	_ = 	snop  }
0x15e: {  	[tilespmem:s15], [sflag:$0x4] =	stream.linear.gather [spmem:s5], $0x4000, $0x38;
	[tilespmem:$0x18400] =	vst v63  }
0x15f: {  	_ = 	snop  }
0x160: {  	[tilespmem:s7], [sflag:$0x5] =	stream.linear.gather [spmem:s13], $0x4000, $0x38;
	[tilespmem:$0x18400] =	vst v63  }
0x161: {  	_ = 	snop  }
0x162: {  	[tilespmem:s6], [sflag:$0x6] =	stream.linear.gather [spmem:s5], $0x4000, $0x38;
	[tilespmem:$0x18400] =	vst v63  }
0x163: {  	_ =	swait.ge [sflag:s30], $0x80  }
0x164: {  	[sflag:s30] =	ssyncset.done $0x0  }
0x165: {  	[sflag:s30] =	ssyncadd.s32 $0xFFFFFF80  }
0x166: {  	_ =	swait.ge [sflag:s30], $0x80  }
0x167: {  	[sflag:s30] =	ssyncset.done $0x0  }
0x168: {  	[sflag:s30] =	ssyncadd.s32 $0xFFFFFF80  }
0x169: {  	_ =	swait.ge [sflag:s30], $0x80  }
0x16a: {  	[sflag:s30] =	ssyncset.done $0x0  }
0x16b: {  	[sflag:s30] =	ssyncadd.s32 $0xFFFFFF80  }
0x16c: {  	_ =	swait.ge [sflag:s30], $0x80  }
0x16d: {  	[sflag:s30] =	ssyncset.done $0x0  }
0x16e: {  	[sflag:s30] =	ssyncadd.s32 $0xFFFFFF80  }
0x16f: {  	_ =	swait.ge [sflag:s30], $0x80  }
0x170: {  	[sflag:s30] =	ssyncset.done $0x0  }
0x171: {  	[sflag:s30] =	ssyncadd.s32 $0xFFFFFF80  }
0x172: {  	_ =	swait.ge [sflag:s30], $0x80  }
0x173: {  	[sflag:s30] =	ssyncset.done $0x0  }
0x174: {  	[sflag:s30] =	ssyncadd.s32 $0xFFFFFF80  }
0x175: {  	_ =	swait.ge [sflag:s30], $0x80  }
0x176: {  	[sflag:s30] =	ssyncset.done $0x0  }
0x177: {  	[sflag:s30] =	ssyncadd.s32 $0xFFFFFF80  }
0x178: {  	_ =	swait.ge [sflag:s30], $0x80  }
0x179: {  	[sflag:s30] =	ssyncset.done $0x0  }
0x17a: {  	[sflag:s30] =	ssyncadd.s32 $0xFFFFFF80  }
0x17b: {  	_ =	swait.ge [sflag:s26], $0x4000  }
0x17c: {  	[sflag:s26] =	ssyncset.done $0x0  }
0x17d: {  	[sflag:s26] =	ssyncadd.s32 $0xFFFFC000  }
0x17e: {  	[tilespmem:s20], [sflag:$0x7] =	stream.indirect.gather.add.f32 [hbm:s2], $0x80, s3, s4, $0xb8;
	[tilespmem:$0x18400] =	vst v63  }
0x17f: {  	_ =	swait.ge [sflag:s24], $0x4000  }
0x180: {  	[sflag:s24] =	ssyncset.done $0x0  }
0x181: {  	[sflag:s24] =	ssyncadd.s32 $0xFFFFC000  }
0x182: {  	[tilespmem:s15], [sflag:$0x8] =	stream.indirect.gather.add.f32 [hbm:s2], $0x80, s4, s4, $0xb8;
	[tilespmem:$0x18400] =	vst v63  }
0x183: {  	_ =	swait.ge [sflag:s23], $0x4000  }
0x184: {  	[sflag:s23] =	ssyncset.done $0x0  }
0x185: {  	s30 =	rddreg [dreg:$0x10];
	[sflag:s23] =	ssyncadd.s32 $0xFFFFC000  }
0x186: {  	[hbm4b:s30+s3] =	stream.linear.scatter [tilespmem:s20], [sflag:$0xB], $0x4000, $0x38;
	[tilespmem:$0x18400] =	vst v63  }
0x187: {  	_ =	swait.ge [sflag:s22], $0x4000  }
0x188: {  	[sflag:s22] =	ssyncset.done $0x0  }
0x189: {  	[sflag:s22] =	ssyncadd.s32 $0xFFFFC000  }
0x18a: {  	[tilespmem:s7], [sflag:$0x9] =	stream.indirect.gather.add.f32 [hbm:s2], $0x80, s9, s4, $0xb8;
	[tilespmem:$0x18400] =	vst v63  }
0x18b: {  	_ =	swait.ge [sflag:s19], $0x4000  }
0x18c: {  	[sflag:s19] =	ssyncset.done $0x0  }
0x18d: {  	s31 =	rddreg [dreg:$0x11];
	[sflag:s19] =	ssyncadd.s32 $0xFFFFC000  }
0x18e: {  	[hbm4b:s31+s3] =	stream.linear.scatter [tilespmem:s15], [sflag:$0xC], $0x4000, $0x38;
	[tilespmem:$0x18400] =	vst v63  }
0x18f: {  	_ =	swait.ge [sflag:s18], $0x4000  }
0x190: {  	[sflag:s18] =	ssyncset.done $0x0  }
0x191: {  	[sflag:s18] =	ssyncadd.s32 $0xFFFFC000  }
0x192: {  	[tilespmem:s6], [sflag:$0xA] =	stream.indirect.gather.add.f32 [hbm:s2], $0x80, s29, s4, $0xb8;
	[tilespmem:$0x18400] =	vst v63  }
0x193: {  	_ =	swait.ge [sflag:s17], $0x4000  }
0x194: {  	[sflag:s17] =	ssyncset.done $0x0  }
0x195: {  	s9 =	rddreg [dreg:$0x12];
	[sflag:s17] =	ssyncadd.s32 $0xFFFFC000  }
0x196: {  	[hbm4b:s9+s3] =	stream.linear.scatter [tilespmem:s7], [sflag:$0xD], $0x4000, $0x38;
	[tilespmem:$0x18400] =	vst v63  }
0x197: {  	_ =	swait.ge [sflag:s12], $0x4000  }
0x198: {  	[sflag:s12] =	ssyncset.done $0x0  }
0x199: {  	[sflag:s12] =	ssyncadd.s32 $0xFFFFC000  }
0x19a: {  	[tilespmem:s20], [sflag:$0x3] =	stream.linear.gather [spmem:s13], $0x4000, $0x38;
	[tilespmem:$0x18400] =	vst v63  }
0x19b: {  	_ =	swait.ge [sflag:s26], $0x4000  }
0x19c: {  	[sflag:s26] =	ssyncset.done $0x0  }
0x19d: {  	[sflag:s26] =	ssyncadd.s32 $0xFFFFC000  }
0x19e: {  	[tilespmem:s20], [sflag:$0x7] =	stream.indirect.gather.add.f32 [hbm:s2], $0x80, s28, s4, $0xb8;
	[tilespmem:$0x18400] =	vst v63  }
0x19f: {  	_ =	swait.ge [sflag:s14], $0x4000  }
0x1a0: {  	[sflag:s14] =	ssyncset.done $0x0  }
0x1a1: {  	s26 =	rddreg [dreg:$0x13];
	[sflag:s14] =	ssyncadd.s32 $0xFFFFC000  }
0x1a2: {  	[hbm4b:s26+s3] =	stream.linear.scatter [tilespmem:s6], [sflag:$0xE], $0x4000, $0x38;
	[tilespmem:$0x18400] =	vst v63  }
0x1a3: {  	_ =	swait.ge [sflag:s11], $0x4000  }
0x1a4: {  	[sflag:s11] =	ssyncset.done $0x0  }
0x1a5: {  	[sflag:s11] =	ssyncadd.s32 $0xFFFFC000  }
0x1a6: {  	[tilespmem:s15], [sflag:$0x4] =	stream.linear.gather [spmem:s5], $0x4000, $0x38;
	[tilespmem:$0x18400] =	vst v63  }
0x1a7: {  	_ =	swait.ge [sflag:s24], $0x4000  }
0x1a8: {  	[sflag:s24] =	ssyncset.done $0x0  }
0x1a9: {  	[sflag:s24] =	ssyncadd.s32 $0xFFFFC000  }
0x1aa: {  	[tilespmem:s15], [sflag:$0x8] =	stream.indirect.gather.add.f32 [hbm:s2], $0x80, s25, s4, $0xb8;
	[tilespmem:$0x18400] =	vst v63  }
0x1ab: {  	_ =	swait.ge [sflag:s23], $0x4000  }
0x1ac: {  	[sflag:s23] =	ssyncset.done $0x0  }
0x1ad: {  	s28 =	rddreg [dreg:$0x14];
	[sflag:s23] =	ssyncadd.s32 $0xFFFFC000  }
0x1ae: {  	[hbm4b:s28+s3] =	stream.linear.scatter [tilespmem:s20], [sflag:$0xB], $0x4000, $0x38;
	[tilespmem:$0x18400] =	vst v63  }
0x1af: {  	_ =	swait.ge [sflag:s10], $0x4000  }
0x1b0: {  	[sflag:s10] =	ssyncset.done $0x0  }
0x1b1: {  	[sflag:s10] =	ssyncadd.s32 $0xFFFFC000  }
0x1b2: {  	[tilespmem:s7], [sflag:$0x5] =	stream.linear.gather [spmem:s13], $0x4000, $0x38;
	[tilespmem:$0x18400] =	vst v63  }
0x1b3: {  	_ =	swait.ge [sflag:s22], $0x4000  }
0x1b4: {  	[sflag:s22] =	ssyncset.done $0x0  }
0x1b5: {  	[sflag:s22] =	ssyncadd.s32 $0xFFFFC000  }
0x1b6: {  	[tilespmem:s7], [sflag:$0x9] =	stream.indirect.gather.add.f32 [hbm:s2], $0x80, s21, s4, $0xb8;
	[tilespmem:$0x18400] =	vst v63  }
0x1b7: {  	_ =	swait.ge [sflag:s19], $0x4000  }
0x1b8: {  	[sflag:s19] =	ssyncset.done $0x0  }
0x1b9: {  	s29 =	rddreg [dreg:$0x15];
	[sflag:s19] =	ssyncadd.s32 $0xFFFFC000  }
0x1ba: {  	[hbm4b:s29+s3] =	stream.linear.scatter [tilespmem:s15], [sflag:$0xC], $0x4000, $0x38;
	[tilespmem:$0x18400] =	vst v63  }
0x1bb: {  	_ =	swait.ge [sflag:s8], $0x4000  }
0x1bc: {  	[sflag:s8] =	ssyncset.done $0x0  }
0x1bd: {  	[sflag:s8] =	ssyncadd.s32 $0xFFFFC000  }
0x1be: {  	[tilespmem:s6], [sflag:$0x6] =	stream.linear.gather [spmem:s5], $0x4000, $0x38;
	[tilespmem:$0x18400] =	vst v63  }
0x1bf: {  	_ =	swait.ge [sflag:s18], $0x4000  }
0x1c0: {  	[sflag:s18] =	ssyncset.done $0x0  }
0x1c1: {  	s1 =	simm.s32 $0x380;
	[sflag:s18] =	ssyncadd.s32 $0xFFFFC000  }
0x1c2: {  	[tilespmem:s6], [sflag:$0xA] =	stream.indirect.gather.add.f32 [hbm:s2], $0x80, s1, s4, $0xb8;
	[tilespmem:$0x18400] =	vst v63  }
0x1c3: {  	_ =	swait.ge [sflag:s17], $0x4000  }
0x1c4: {  	[sflag:s17] =	ssyncset.done $0x0  }
0x1c5: {  	s30 =	rddreg [dreg:$0x16];
	[sflag:s17] =	ssyncadd.s32 $0xFFFFC000  }
0x1c6: {  	[hbm4b:s30+s3] =	stream.linear.scatter [tilespmem:s7], [sflag:$0xD], $0x4000, $0x38;
	[tilespmem:$0x18400] =	vst v63  }
0x1c7: {  	_ =	swait.ge [sflag:s14], $0x4000  }
0x1c8: {  	[sflag:s14] =	ssyncset.done $0x0  }
0x1c9: {  	s31 =	rddreg [dreg:$0x17];
	[sflag:s14] =	ssyncadd.s32 $0xFFFFC000  }
0x1ca: {  	[hbm4b:s31+s3] =	stream.linear.scatter [tilespmem:s6], [sflag:$0xE], $0x4000, $0x38;
	[tilespmem:$0x18400] =	vst v63  }
0x1cb: {  	_ =	swait.ge [sflag:s12], $0x4000  }
0x1cc: {  	[sflag:s12] =	ssyncset.done $0x0  }
0x1cd: {  	[sflag:s12] =	ssyncadd.s32 $0xFFFFC000  }
0x1ce: {  	_ =	swait.ge [sflag:s11], $0x4000  }
0x1cf: {  	[sflag:s11] =	ssyncset.done $0x0  }
0x1d0: {  	[sflag:s11] =	ssyncadd.s32 $0xFFFFC000  }
0x1d1: {  	_ =	swait.ge [sflag:s10], $0x4000  }
0x1d2: {  	[sflag:s10] =	ssyncset.done $0x0  }
0x1d3: {  	[sflag:s10] =	ssyncadd.s32 $0xFFFFC000  }
0x1d4: {  	_ =	swait.ge [sflag:s8], $0x4000  }
0x1d5: {  	[sflag:s8] =	ssyncset.done $0x0  }
0x1d6: {  	[sflag:s8] =	ssyncadd.s32 $0xFFFFC000  }
0x1d7: {  	_ =	sfence.sel $0x180000  }
0x1d8: {  	[bflag:$0x0] =	sbarrier.arrive $0xFFFF  }
0x1d9: {  	_ =	strace $0x90000047  }
0x1da: {  	[bflag:$0x2] =	sbarrier.arrive $0xFFFF  }
0x1db: {  	p0 =	sne.s32 s16, $0x0;
	s0 =	rddreg [dreg:$0x5]  }
0x1dc: {  	s0 =	sadd.s32 @!p0 $0x100000, s0  }
0x1dd: {  	[sflag:s0] =	ssyncadd.tile.s32 @!p0 $0x1;
	_ =	shalt  }
.LBB2_6:
.Ltmp3:
0x1de: {  	(pc) =	sbr.rel .LBB2_5-.Ltmp3, $2  }
0x1df: {  	_ =	sdelay $0x2  }
0x1e0: {  	s16 =	stileid.u32;
	s31 =	simm.s32 $0x2;
	s1 =	rddreg [dreg:$0x18]  }
.Lfunc_end2:
_tile_overlayer_lowered:
.L_overlay_start_2:
0x1e1: {  	(tag) =	ssettag $0x2  }
0x1e2: {  	s0 =	rddreg [dreg:$0x0];
	s2 =	stileid.u32  }
0x1e3: {  	s1 =	rddreg [dreg:$0x1];
	p0 =	sne.s32 s2, $0x0  }
0x1e4: {  	s3 =	rddreg [dreg:$0x2];
	[bflag:$0x3] =	sbarrier.arrive $0xFFFF;
	s2 =	simm.s32 @!p0 $0x1C0F  }
0x1e5: {  	[timem:s3], [sflag:s2] =	dma.local @!p0 [hbm:s0], s1  }
0x1e6: {  	s0 =	simm.s32 @!p0 $0xF  }
0x1e7: {  	_ =	swait.ge @!p0 [sflag:s0], s1  }
0x1e8: {  	s1 =	ssub.s32 @!p0 $0x0, s1;
	[sflag:s0] =	ssyncset.done @!p0 $0x0  }
0x1e9: {  	[sflag:s0] =	ssyncadd.s32 @!p0 s1  }
0x1ea: {  	[bflag:$0x3] =	sbarrier.arrive $0xFFFF  }
0x1eb: {  	_ =	shalt  }

</sc_bundles>
